<compile_context>
chip_gen: v7x
topology: tpu7x:2x2x1
jax: 0.10.2.dev20260603
libtpu: 0.0.44.dev20260713+nightly
codegen_flags: <defaults>
</compile_context>

<pallas_src>
import functools

import numpy as np
import jax
import jax.numpy as jnp
from jax import lax
from jax.experimental import pallas as pl
from jax.experimental.pallas import tpu as pltpu
from jax.experimental.pallas import tpu_sc as plsc
from jax._src.random.threefry2x32 import threefry2x32_p

P = 8192
RS = 64
NSTEPS = P // RS
KT = P // 128

NC = 2
NS = 16
NW = NC * NS
BPW = P // NW

TINY = np.float32(np.finfo(np.float32).tiny)
SPAN = np.float32(np.float32(1.0) - TINY)
BIG = np.int32(2**30)


def _bits(k2_const, lin_u32):
    z = jnp.zeros_like(lin_u32)
    b1, b2 = threefry2x32_p.bind(
        jnp.uint32(0), jnp.uint32(k2_const), z, lin_u32)
    return b1 ^ b2


def _unit_float(bits):
    fb = lax.shift_right_logical(bits, jnp.uint32(9)) | jnp.uint32(0x3F800000)
    return lax.bitcast_convert_type(fb, jnp.float32) - jnp.float32(1.0)


def _body(logit_ref, idx_ref, log_scr):
    g = pl.program_id(0)

    @pl.when(g == 0)
    def _init():
        log_scr[...] = jnp.broadcast_to(logit_ref[...], (RS, P))

    rio = lax.broadcasted_iota(jnp.int32, (RS, 128), 0)
    cio2 = lax.broadcasted_iota(jnp.int32, (RS, 128), 1)
    lin0 = ((g * RS + rio) * P + cio2).astype(jnp.uint32)

    def k_body(k, carry):
        m, a = carry
        lin = lin0 + (k * 128).astype(jnp.uint32)
        f = _unit_float(_bits(2, lin))
        u = jnp.maximum(TINY, f * SPAN + TINY)
        lchunk = log_scr[:, pl.ds(k * 128, 128)]
        t = -jnp.log(-jnp.log(u)) + lchunk
        sel = t > m
        a = jnp.where(sel, k * 128 + cio2, a)
        m = jnp.where(sel, t, m)
        return m, a

    m, a = lax.fori_loop(
        0, KT, k_body,
        (jnp.full((RS, 128), -jnp.inf, jnp.float32),
         jnp.zeros((RS, 128), jnp.int32)),
        unroll=8)

    m_row = jnp.max(m, axis=1, keepdims=True)
    a_row = jnp.min(jnp.where(m == m_row, a, BIG),
                    axis=1, keepdims=True)
    idx_ref[...] = a_row


def _sc_gather(idx2d, upd128):
    mesh = plsc.VectorSubcoreMesh(core_axis_name="c", subcore_axis_name="s")

    @functools.partial(
        pl.kernel,
        out_type=jax.ShapeDtypeStruct((NW, 16), jnp.float32),
        mesh=mesh,
        scratch_types=[
            pltpu.VMEM((BPW // 128, 128), jnp.int32),
            pltpu.VMEM((128, 128), jnp.float32),
            pltpu.VMEM((16,), jnp.float32),
            pltpu.SemaphoreType.DMA,
        ],
    )
    def run(idx_hbm, upd_hbm, out_hbm, idx_v, rows_v, acc_v, sem):
        wid = lax.axis_index("s") * NC + lax.axis_index("c")
        nrows = BPW // 128
        pltpu.sync_copy(idx_hbm.at[pl.ds(wid * nrows, nrows)], idx_v)
        acc = jnp.zeros((16,), jnp.float32)
        for j in range(nrows):
            pltpu.async_copy(upd_hbm.at[idx_v.at[j]], rows_v, sem).wait()

            def body(i, acc):
                return acc + rows_v[i, pl.ds(0, 16)]

            acc = lax.fori_loop(0, 128, body, acc)
        acc_v[...] = acc
        pltpu.sync_copy(acc_v, out_hbm.at[wid])

    return run(idx2d, upd128)


def kernel(inputs, state_vector, transition_matrix, process_noise_cov,
           forward_matrix):
    updated = jnp.matmul(state_vector, transition_matrix.T)
    noise = jax.random.normal(jax.random.key(1), state_vector.shape,
                              dtype=jnp.float32)
    chol = jnp.linalg.cholesky(process_noise_cov)
    updated = updated + jnp.matmul(noise, chol)
    predicted = jnp.matmul(forward_matrix, updated.reshape(-1, 3).T)
    diff = inputs.reshape(1, 1, P) - predicted.T
    w = jnp.sum(jnp.square(diff), axis=-1).reshape(P)
    logits = jnp.log(w)

    idx = pl.pallas_call(
        _body,
        grid=(NSTEPS,),
        in_specs=[pl.BlockSpec((1, P), lambda g: (0, 0))],
        out_specs=pl.BlockSpec((RS, 1), lambda g: (g, 0)),
        out_shape=jax.ShapeDtypeStruct((P, 1), jnp.int32),
        scratch_shapes=[pltpu.VMEM((RS, P), jnp.float32)],
        compiler_params=pltpu.CompilerParams(
            dimension_semantics=("arbitrary",)),
    )(logits.reshape(1, P))

    upd128 = jnp.pad(updated, ((0, 0), (0, 125)))
    partials = _sc_gather(idx.reshape(P // 128, 128), upd128)
    total = jnp.sum(partials, axis=0)
    return total[:3] / np.float32(P)

# --- scband reference (transcript-rebuilt; emitter-appended) ---
"""Pipeline reference for scband-multicore-bpflayer-17832704213311 (READ-ONLY COPY).

The authoritative reference and input builder live on the scoring server;
editing this copy changes nothing except your own understanding.
"""

import jax, jax.numpy as jnp
import numpy as np

NUM_PARTICLES = 8192
NUM_CHANNELS = 1


def setup_inputs(seed: int = 0):
    key = jax.random.key(seed)
    k1, k2 = jax.random.split(key)
    inputs = jax.random.normal(k1, (1, NUM_CHANNELS * NUM_PARTICLES), dtype=jnp.float32)
    # layer weights (built in build()): state_vector ~ random_normal, particle_weights overwritten each call
    state_vector = jax.random.normal(k2, (NUM_PARTICLES, 3), dtype=jnp.float32) * 0.05
    # __init__ constants
    transition_matrix = jnp.eye(3, dtype=jnp.float32)
    process_noise_cov = jnp.eye(3, dtype=jnp.float32) * 0.01
    forward_matrix = jnp.array([[0.5, -0.3, 0.8]], dtype=jnp.float32)
    return {
        "inputs": inputs,
        "state_vector": state_vector,
        "transition_matrix": transition_matrix,
        "process_noise_cov": process_noise_cov,
        "forward_matrix": forward_matrix,
    }


def reference(inputs, state_vector, transition_matrix, process_noise_cov, forward_matrix):
    P = state_vector.shape[0]
    # --- state_transition_model ---
    updated = jnp.matmul(state_vector, transition_matrix.T)
    noise = jax.random.normal(jax.random.key(1), state_vector.shape, dtype=jnp.float32)
    L = jnp.linalg.cholesky(process_noise_cov)
    updated = updated + jnp.matmul(noise, L)
    # --- eeg_measurement_model ---
    sv = updated.reshape(-1, 3).T  # (3, P)
    predicted = jnp.matmul(forward_matrix, sv)  # (M, P)
    # --- weight update ---
    B = inputs.shape[0]
    M, Pp = predicted.shape
    reshaped_inputs = inputs.reshape(B, M, Pp)
    diff = reshaped_inputs - predicted.T  # (B, M, P) - (P, M) broadcast (valid since M == 1)
    particle_weights = jnp.sum(jnp.square(diff), axis=-1).reshape(P)
    # --- resampling (categorical over log-weights) ---
    logits = jnp.log(particle_weights)
    idx = jax.random.categorical(jax.random.key(2), logits, shape=(P,))
    resampled = jnp.take(updated, idx, axis=0)
    return jnp.mean(resampled, axis=0)

if __name__ == "__main__":
    import jax
    _d = setup_inputs()
    print(jax.jit(kernel)(*tuple(_d.values())))

</pallas_src>

<mosaic_0001>
#map = affine_map<(d0, d1) -> (0, 0)>
module attributes {stable_mosaic.version = 14 : i64} {
  func.func @run(%arg0: i32, %arg1: i32, %arg2: memref<64x128xi32, #tpu.memory_space<hbm>>, %arg3: memref<8192x128xf32, #tpu.memory_space<hbm>>, %arg4: memref<32x16xf32, #tpu.memory_space<hbm>>, %arg5: memref<2x128xi32, #tpu.memory_space<vmem>>, %arg6: memref<128x128xf32, #tpu.memory_space<vmem>>, %arg7: memref<16xf32, #tpu.memory_space<vmem>>, %arg8: memref<!tpu.dma_semaphore, #tpu.memory_space<semaphore_mem>>) attributes {dimension_semantics = [#tpu.dimension_semantics<core_parallel>, #tpu.dimension_semantics<subcore_parallel>], iteration_bounds = array<i64: 2, 16>, scalar_prefetch = 0 : i64, scratch_operands = 4 : i64, tpu.core_type = #tpu.core_type<sc_vector_subcore>, window_params = [{transform_indices = #map}, {transform_indices = #map}, {transform_indices = #map}]} {
    %mul3A = arith.constant 2 : i32
    %mul3A_0 = arith.muli %arg1, %mul3A : i32
    %add3A = arith.addi %mul3A_0, %arg0 : i32
    %mul3A_1 = arith.constant 2 : i32
    %mul3A_2 = arith.muli %add3A, %mul3A_1 : i32
    "tpu.region"() ({
      %run_scoped3A = tpu.sem_alloc : memref<!tpu.dma_semaphore, #tpu.memory_space<semaphore_mem>>
      %dma_start3A_44 = arith.constant 0 : i32
      %dma_start3A_45 = tpu.memref_slice %arg2[%mul3A_2, %dma_start3A_44] : memref<64x128xi32, #tpu.memory_space<hbm>> -> memref<2x128xi32, #tpu.memory_space<hbm>>
      %dma_start3A_46 = arith.constant 0 : i32
      %dma_start3A_47 = tpu.memref_slice %arg2[%mul3A_2, %dma_start3A_46] : memref<64x128xi32, #tpu.memory_space<hbm>> -> memref<2x128xi32, #tpu.memory_space<hbm>>
      tpu.enqueue_dma source(%dma_start3A_47 : memref<2x128xi32, #tpu.memory_space<hbm>>) target(%arg5 : memref<2x128xi32, #tpu.memory_space<vmem>>) target_semaphore(%run_scoped3A : memref<!tpu.dma_semaphore, #tpu.memory_space<semaphore_mem>>)
      %dma_wait3A_48 = arith.constant 0 : i32
      %dma_wait3A_49 = tpu.memref_slice %arg2[%mul3A_2, %dma_wait3A_48] : memref<64x128xi32, #tpu.memory_space<hbm>> -> memref<2x128xi32, #tpu.memory_space<hbm>>
      %dma_wait3A_50 = arith.constant 0 : i32
      %dma_wait3A_51 = tpu.memref_slice %arg2[%mul3A_2, %dma_wait3A_50] : memref<64x128xi32, #tpu.memory_space<hbm>> -> memref<2x128xi32, #tpu.memory_space<hbm>>
      tpu.wait_dma2 semaphore(%run_scoped3A : memref<!tpu.dma_semaphore, #tpu.memory_space<semaphore_mem>>) src(%dma_wait3A_51 : memref<2x128xi32, #tpu.memory_space<hbm>>) dst(%arg5 : memref<2x128xi32, #tpu.memory_space<vmem>>)
      tpu.yield
    }) : () -> ()
    %broadcast_in_dim3A = arith.constant 0.000000e+00 : f32
    %broadcast_in_dim3A_3 = vector.broadcast %broadcast_in_dim3A : f32 to vector<16xf32>
    %dma_start3A = arith.constant 0 : i32
    %dma_start3A_4 = arith.constant 0 : i32
    %dma_start3A_5 = tpu.memref_slice %arg5[%dma_start3A, %dma_start3A_4] : memref<2x128xi32, #tpu.memory_space<vmem>> -> memref<1x128xi32, #tpu.memory_space<vmem>>
    %dma_start3A_6 = tpu.memref_squeeze %dma_start3A_5 : memref<1x128xi32, #tpu.memory_space<vmem>> -> memref<128xi32, #tpu.memory_space<vmem>>
    %dma_start3A_7 = arith.constant 0 : i32
    %dma_start3A_8 = arith.constant 0 : i32
    %dma_start3A_9 = tpu.memref_slice %arg3[%dma_start3A_7, %dma_start3A_8] : memref<8192x128xf32, #tpu.memory_space<hbm>> -> memref<8192x128xf32, #tpu.memory_space<hbm>>
    tpu.enqueue_indirect_dma source(%dma_start3A_9 : memref<8192x128xf32, #tpu.memory_space<hbm>>) target(%arg6 : memref<128x128xf32, #tpu.memory_space<vmem>>) offsets(%dma_start3A_6 : memref<128xi32, #tpu.memory_space<vmem>>) semaphore(%arg8 : memref<!tpu.dma_semaphore, #tpu.memory_space<semaphore_mem>>)
    %dma_wait3A = arith.constant 0 : i32
    %dma_wait3A_10 = arith.constant 0 : i32
    %dma_wait3A_11 = tpu.memref_slice %arg5[%dma_wait3A, %dma_wait3A_10] : memref<2x128xi32, #tpu.memory_space<vmem>> -> memref<1x128xi32, #tpu.memory_space<vmem>>
    %dma_wait3A_12 = tpu.memref_squeeze %dma_wait3A_11 : memref<1x128xi32, #tpu.memory_space<vmem>> -> memref<128xi32, #tpu.memory_space<vmem>>
    %dma_wait3A_13 = arith.constant 0 : i32
    %dma_wait3A_14 = arith.constant 0 : i32
    %dma_wait3A_15 = tpu.memref_slice %arg3[%dma_wait3A_13, %dma_wait3A_14] : memref<8192x128xf32, #tpu.memory_space<hbm>> -> memref<8192x128xf32, #tpu.memory_space<hbm>>
    tpu.wait_indirect_dma semaphore(%arg8 : memref<!tpu.dma_semaphore, #tpu.memory_space<semaphore_mem>>) src(%dma_wait3A_15 : memref<8192x128xf32, #tpu.memory_space<hbm>>) dst(%arg6 : memref<128x128xf32, #tpu.memory_space<vmem>>)
    %scan3A = arith.constant 0 : i32
    %scan3A_16 = arith.constant 128 : i32
    %scan3A_17 = arith.addi %scan3A, %scan3A_16 : i32
    %scan3A_18 = arith.constant 1 : i32
    %scan3A_19 = scf.for %scan3A_44 = %scan3A to %scan3A_17 step %scan3A_18 iter_args(%scan3A_45 = %broadcast_in_dim3A_3) -> (vector<16xf32>)  : i32 {
      %get3A = arith.index_cast %scan3A_44 : i32 to index
      %get3A_46 = arith.constant 0 : index
      %get3A_47 = tpu.vector_load %arg6[%get3A, %get3A_46] {strides = array<i32>} : memref<128x128xf32, #tpu.memory_space<vmem>>, vector<1x16xf32>,
      %get3A_48 = vector.shape_cast %get3A_47 : vector<1x16xf32> to vector<16xf32>
      %add3A_49 = arith.addf %scan3A_45, %get3A_48 : vector<16xf32>
      scf.yield %add3A_49 : vector<16xf32>
    }
    %scan3A_20 = arith.constant 128 : i32
    %dma_start3A_21 = arith.constant 1 : i32
    %dma_start3A_22 = arith.constant 0 : i32
    %dma_start3A_23 = tpu.memref_slice %arg5[%dma_start3A_21, %dma_start3A_22] : memref<2x128xi32, #tpu.memory_space<vmem>> -> memref<1x128xi32, #tpu.memory_space<vmem>>
    %dma_start3A_24 = tpu.memref_squeeze %dma_start3A_23 : memref<1x128xi32, #tpu.memory_space<vmem>> -> memref<128xi32, #tpu.memory_space<vmem>>
    %dma_start3A_25 = arith.constant 0 : i32
    %dma_start3A_26 = arith.constant 0 : i32
    %dma_start3A_27 = tpu.memref_slice %arg3[%dma_start3A_25, %dma_start3A_26] : memref<8192x128xf32, #tpu.memory_space<hbm>> -> memref<8192x128xf32, #tpu.memory_space<hbm>>
    tpu.enqueue_indirect_dma source(%dma_start3A_27 : memref<8192x128xf32, #tpu.memory_space<hbm>>) target(%arg6 : memref<128x128xf32, #tpu.memory_space<vmem>>) offsets(%dma_start3A_24 : memref<128xi32, #tpu.memory_space<vmem>>) semaphore(%arg8 : memref<!tpu.dma_semaphore, #tpu.memory_space<semaphore_mem>>)
    %dma_wait3A_28 = arith.constant 1 : i32
    %dma_wait3A_29 = arith.constant 0 : i32
    %dma_wait3A_30 = tpu.memref_slice %arg5[%dma_wait3A_28, %dma_wait3A_29] : memref<2x128xi32, #tpu.memory_space<vmem>> -> memref<1x128xi32, #tpu.memory_space<vmem>>
    %dma_wait3A_31 = tpu.memref_squeeze %dma_wait3A_30 : memref<1x128xi32, #tpu.memory_space<vmem>> -> memref<128xi32, #tpu.memory_space<vmem>>
    %dma_wait3A_32 = arith.constant 0 : i32
    %dma_wait3A_33 = arith.constant 0 : i32
    %dma_wait3A_34 = tpu.memref_slice %arg3[%dma_wait3A_32, %dma_wait3A_33] : memref<8192x128xf32, #tpu.memory_space<hbm>> -> memref<8192x128xf32, #tpu.memory_space<hbm>>
    tpu.wait_indirect_dma semaphore(%arg8 : memref<!tpu.dma_semaphore, #tpu.memory_space<semaphore_mem>>) src(%dma_wait3A_34 : memref<8192x128xf32, #tpu.memory_space<hbm>>) dst(%arg6 : memref<128x128xf32, #tpu.memory_space<vmem>>)
    %scan3A_35 = arith.constant 0 : i32
    %scan3A_36 = arith.constant 128 : i32
    %scan3A_37 = arith.addi %scan3A_35, %scan3A_36 : i32
    %scan3A_38 = arith.constant 1 : i32
    %scan3A_39 = scf.for %scan3A_44 = %scan3A_35 to %scan3A_37 step %scan3A_38 iter_args(%scan3A_45 = %scan3A_19) -> (vector<16xf32>)  : i32 {
      %get3A = arith.index_cast %scan3A_44 : i32 to index
      %get3A_46 = arith.constant 0 : index
      %get3A_47 = tpu.vector_load %arg6[%get3A, %get3A_46] {strides = array<i32>} : memref<128x128xf32, #tpu.memory_space<vmem>>, vector<1x16xf32>,
      %get3A_48 = vector.shape_cast %get3A_47 : vector<1x16xf32> to vector<16xf32>
      %add3A_49 = arith.addf %scan3A_45, %get3A_48 : vector<16xf32>
      scf.yield %add3A_49 : vector<16xf32>
    }
    %scan3A_40 = arith.constant 128 : i32
    %swap3A = arith.constant 0 : index
    %swap3A_41 = tpu.vector_load %arg7[%swap3A] {strides = array<i32>} : memref<16xf32, #tpu.memory_space<vmem>>, vector<16xf32>,
    %swap3A_42 = vector.shape_cast %swap3A_41 : vector<16xf32> to vector<16xf32>
    %swap3A_43 = vector.shape_cast %scan3A_39 : vector<16xf32> to vector<16xf32>
    tpu.vector_store %arg7[%swap3A], %swap3A_43 {strides = array<i32>} : memref<16xf32, #tpu.memory_space<vmem>>, vector<16xf32>,
    "tpu.region"() ({
      %run_scoped3A = tpu.sem_alloc : memref<!tpu.dma_semaphore, #tpu.memory_space<semaphore_mem>>
      %dma_start3A_44 = arith.constant 0 : i32
      %dma_start3A_45 = tpu.memref_slice %arg4[%add3A, %dma_start3A_44] : memref<32x16xf32, #tpu.memory_space<hbm>> -> memref<1x16xf32, #tpu.memory_space<hbm>>
      %dma_start3A_46 = tpu.memref_squeeze %dma_start3A_45 : memref<1x16xf32, #tpu.memory_space<hbm>> -> memref<16xf32, #tpu.memory_space<hbm>>
      %dma_start3A_47 = arith.constant 0 : i32
      %dma_start3A_48 = tpu.memref_slice %arg4[%add3A, %dma_start3A_47] : memref<32x16xf32, #tpu.memory_space<hbm>> -> memref<1x16xf32, #tpu.memory_space<hbm>>
      %dma_start3A_49 = tpu.memref_squeeze %dma_start3A_48 : memref<1x16xf32, #tpu.memory_space<hbm>> -> memref<16xf32, #tpu.memory_space<hbm>>
      tpu.enqueue_dma source(%arg7 : memref<16xf32, #tpu.memory_space<vmem>>) target(%dma_start3A_49 : memref<16xf32, #tpu.memory_space<hbm>>) target_semaphore(%run_scoped3A : memref<!tpu.dma_semaphore, #tpu.memory_space<semaphore_mem>>)
      %dma_wait3A_50 = arith.constant 0 : i32
      %dma_wait3A_51 = tpu.memref_slice %arg4[%add3A, %dma_wait3A_50] : memref<32x16xf32, #tpu.memory_space<hbm>> -> memref<1x16xf32, #tpu.memory_space<hbm>>
      %dma_wait3A_52 = tpu.memref_squeeze %dma_wait3A_51 : memref<1x16xf32, #tpu.memory_space<hbm>> -> memref<16xf32, #tpu.memory_space<hbm>>
      %dma_wait3A_53 = arith.constant 0 : i32
      %dma_wait3A_54 = tpu.memref_slice %arg4[%add3A, %dma_wait3A_53] : memref<32x16xf32, #tpu.memory_space<hbm>> -> memref<1x16xf32, #tpu.memory_space<hbm>>
      %dma_wait3A_55 = tpu.memref_squeeze %dma_wait3A_54 : memref<1x16xf32, #tpu.memory_space<hbm>> -> memref<16xf32, #tpu.memory_space<hbm>>
      tpu.wait_dma2 semaphore(%run_scoped3A : memref<!tpu.dma_semaphore, #tpu.memory_space<semaphore_mem>>) src(%arg7 : memref<16xf32, #tpu.memory_space<vmem>>) dst(%dma_wait3A_55 : memref<16xf32, #tpu.memory_space<hbm>>)
      tpu.yield
    }) : () -> ()
    return
  }
}

module attributes {stable_mosaic.version = 14 : i64} {
  func.func @_body(%arg0: i32, %arg1: memref<1x8192xf32, #tpu.memory_space<vmem>>, %arg2: memref<64x1xi32, #tpu.memory_space<vmem>>, %arg3: memref<64x8192xf32, #tpu.memory_space<vmem>>) attributes {dimension_semantics = [#tpu.dimension_semantics<arbitrary>], iteration_bounds = array<i64: 128>, scalar_prefetch = 0 : i64, scratch_operands = 1 : i64, tpu.core_type = #tpu.core_type<tc>, window_params = [{pipeline_mode = #tpu.pipeline_mode<synchronous>, transform_indices = @transform_0, window_bounds = array<i64: 1, 8192>}, {transform_indices = @transform_1, window_bounds = array<i64: 64, 1>}]} {
    %eq3A = arith.constant 0 : i32
    %eq3A_0 = arith.cmpi eq, %arg0, %eq3A : i32
    %convert_element_type3A = arith.extui %eq3A_0 : i1 to i32
    %cond3A = arith.constant 0 : i32
    %cond3A_1 = arith.cmpi ne, %convert_element_type3A, %cond3A : i32
    scf.if %cond3A_1 {
      %get3A = arith.constant 0 : index
      %get3A_26 = arith.constant 0 : index
      %get3A_27 = vector.load %arg1[%get3A, %get3A_26] : memref<1x8192xf32, #tpu.memory_space<vmem>>, vector<1x8192xf32>
      %broadcast_in_dim3A_28 = vector.shape_cast %get3A_27 : vector<1x8192xf32> to vector<1x8192xf32>
      %broadcast_in_dim3A_29 = vector.broadcast %broadcast_in_dim3A_28 : vector<1x8192xf32> to vector<64x8192xf32>
      %swap3A_30 = arith.constant 0 : index
      %swap3A_31 = arith.constant 0 : index
      %swap3A_32 = vector.load %arg3[%swap3A_30, %swap3A_31] : memref<64x8192xf32, #tpu.memory_space<vmem>>, vector<64x8192xf32>
      tpu.vector_store %arg3[%swap3A_30, %swap3A_31], %broadcast_in_dim3A_29 {strides = array<i32>} : memref<64x8192xf32, #tpu.memory_space<vmem>>, vector<64x8192xf32>,
    } else {
    }
    %iota3A = tpu.iota {dimensions = array<i32: 0>} : vector<64x128xi32>
    %iota3A_2 = tpu.iota {dimensions = array<i32: 1>} : vector<64x128xi32>
    %mul3A = arith.constant 64 : i32
    %mul3A_3 = arith.muli %arg0, %mul3A : i32
    %add3A = vector.broadcast %mul3A_3 : i32 to vector<64x128xi32>
    %add3A_4 = arith.addi %add3A, %iota3A : vector<64x128xi32>
    %mul3A_5 = arith.constant 8192 : i32
    %mul3A_6 = vector.broadcast %mul3A_5 : i32 to vector<64x128xi32>
    %mul3A_7 = arith.muli %add3A_4, %mul3A_6 : vector<64x128xi32>
    %add3A_8 = arith.addi %mul3A_7, %iota3A_2 : vector<64x128xi32>
    %broadcast_in_dim3A = arith.constant 0xFF800000 : f32
    %broadcast_in_dim3A_9 = vector.broadcast %broadcast_in_dim3A : f32 to vector<64x128xf32>
    %broadcast_in_dim3A_10 = arith.constant 0 : i32
    %broadcast_in_dim3A_11 = vector.broadcast %broadcast_in_dim3A_10 : i32 to vector<64x128xi32>
    %scan3A = arith.constant 0 : i32
    %scan3A_12 = arith.constant 64 : i32
    %scan3A_13 = arith.addi %scan3A, %scan3A_12 : i32
    %scan3A_14 = arith.constant 8 : i32
    %scan3A_15:2 = scf.for %scan3A_26 = %scan3A to %scan3A_13 step %scan3A_14 iter_args(%scan3A_27 = %broadcast_in_dim3A_9, %scan3A_28 = %broadcast_in_dim3A_11) -> (vector<64x128xf32>, vector<64x128xi32>)  : i32 {
      %mul3A_29 = arith.constant 128 : i32
      %mul3A_30 = arith.muli %scan3A_26, %mul3A_29 : i32
      %add3A_31 = vector.broadcast %mul3A_30 : i32 to vector<64x128xi32>
      %add3A_32 = arith.addi %add3A_8, %add3A_31 : vector<64x128xi32>
      %broadcast_in_dim3A_33 = arith.constant 0 : i32
      %broadcast_in_dim3A_34 = vector.broadcast %broadcast_in_dim3A_33 : i32 to vector<64x128xi32>
      %threefry2x323A = arith.constant 0 : i32
      %threefry2x323A_35 = arith.constant 2 : i32
      "tpu.trace_start"() <{level = 10 : i32, message = "threefry2x32"}> : () -> ()
      %threefry2x323A_36 = arith.xori %threefry2x323A, %threefry2x323A_35 : i32
      %threefry2x323A_37 = arith.constant 466688986 : i32
      %threefry2x323A_38 = arith.xori %threefry2x323A_36, %threefry2x323A_37 : i32
      %threefry2x323A_39 = vector.broadcast %threefry2x323A : i32 to vector<64x128xi32>
      %threefry2x323A_40 = arith.addi %broadcast_in_dim3A_34, %threefry2x323A_39 : vector<64x128xi32>
      %threefry2x323A_41 = vector.broadcast %threefry2x323A_35 : i32 to vector<64x128xi32>
      %threefry2x323A_42 = arith.addi %add3A_32, %threefry2x323A_41 : vector<64x128xi32>
      %threefry2x323A_43 = arith.addi %threefry2x323A_40, %threefry2x323A_42 : vector<64x128xi32>
      %threefry2x323A_44 = arith.constant 13 : i32
      %threefry2x323A_45 = vector.broadcast %threefry2x323A_44 : i32 to vector<64x128xi32>
      %threefry2x323A_46 = arith.shli %threefry2x323A_42, %threefry2x323A_45 : vector<64x128xi32>
      %threefry2x323A_47 = arith.constant 19 : i32
      %threefry2x323A_48 = vector.broadcast %threefry2x323A_47 : i32 to vector<64x128xi32>
      %threefry2x323A_49 = arith.shrui %threefry2x323A_42, %threefry2x323A_48 : vector<64x128xi32>
      %threefry2x323A_50 = arith.ori %threefry2x323A_46, %threefry2x323A_49 : vector<64x128xi32>
      %threefry2x323A_51 = arith.xori %threefry2x323A_43, %threefry2x323A_50 : vector<64x128xi32>
      %threefry2x323A_52 = arith.addi %threefry2x323A_43, %threefry2x323A_51 : vector<64x128xi32>
      %threefry2x323A_53 = arith.constant 15 : i32
      %threefry2x323A_54 = vector.broadcast %threefry2x323A_53 : i32 to vector<64x128xi32>
      %threefry2x323A_55 = arith.shli %threefry2x323A_51, %threefry2x323A_54 : vector<64x128xi32>
      %threefry2x323A_56 = arith.constant 17 : i32
      %threefry2x323A_57 = vector.broadcast %threefry2x323A_56 : i32 to vector<64x128xi32>
      %threefry2x323A_58 = arith.shrui %threefry2x323A_51, %threefry2x323A_57 : vector<64x128xi32>
      %threefry2x323A_59 = arith.ori %threefry2x323A_55, %threefry2x323A_58 : vector<64x128xi32>
      %threefry2x323A_60 = arith.xori %threefry2x323A_52, %threefry2x323A_59 : vector<64x128xi32>
      %threefry2x323A_61 = arith.addi %threefry2x323A_52, %threefry2x323A_60 : vector<64x128xi32>
      %threefry2x323A_62 = arith.constant 26 : i32
      %threefry2x323A_63 = vector.broadcast %threefry2x323A_62 : i32 to vector<64x128xi32>
      %threefry2x323A_64 = arith.shli %threefry2x323A_60, %threefry2x323A_63 : vector<64x128xi32>
      %threefry2x323A_65 = arith.constant 6 : i32
      %threefry2x323A_66 = vector.broadcast %threefry2x323A_65 : i32 to vector<64x128xi32>
      %threefry2x323A_67 = arith.shrui %threefry2x323A_60, %threefry2x323A_66 : vector<64x128xi32>
      %threefry2x323A_68 = arith.ori %threefry2x323A_64, %threefry2x323A_67 : vector<64x128xi32>
      %threefry2x323A_69 = arith.xori %threefry2x323A_61, %threefry2x323A_68 : vector<64x128xi32>
      %threefry2x323A_70 = arith.addi %threefry2x323A_61, %threefry2x323A_69 : vector<64x128xi32>
      %threefry2x323A_71 = arith.constant 6 : i32
      %threefry2x323A_72 = vector.broadcast %threefry2x323A_71 : i32 to vector<64x128xi32>
      %threefry2x323A_73 = arith.shli %threefry2x323A_69, %threefry2x323A_72 : vector<64x128xi32>
      %threefry2x323A_74 = arith.constant 26 : i32
      %threefry2x323A_75 = vector.broadcast %threefry2x323A_74 : i32 to vector<64x128xi32>
      %threefry2x323A_76 = arith.shrui %threefry2x323A_69, %threefry2x323A_75 : vector<64x128xi32>
      %threefry2x323A_77 = arith.ori %threefry2x323A_73, %threefry2x323A_76 : vector<64x128xi32>
      %threefry2x323A_78 = arith.xori %threefry2x323A_70, %threefry2x323A_77 : vector<64x128xi32>
      %threefry2x323A_79 = vector.broadcast %threefry2x323A_35 : i32 to vector<64x128xi32>
      %threefry2x323A_80 = arith.addi %threefry2x323A_70, %threefry2x323A_79 : vector<64x128xi32>
      %threefry2x323A_81 = vector.broadcast %threefry2x323A_38 : i32 to vector<64x128xi32>
      %threefry2x323A_82 = arith.addi %threefry2x323A_78, %threefry2x323A_81 : vector<64x128xi32>
      %threefry2x323A_83 = arith.constant 1 : i32
      %threefry2x323A_84 = vector.broadcast %threefry2x323A_83 : i32 to vector<64x128xi32>
      %threefry2x323A_85 = arith.addi %threefry2x323A_82, %threefry2x323A_84 : vector<64x128xi32>
      %threefry2x323A_86 = arith.addi %threefry2x323A_80, %threefry2x323A_85 : vector<64x128xi32>
      %threefry2x323A_87 = arith.constant 17 : i32
      %threefry2x323A_88 = vector.broadcast %threefry2x323A_87 : i32 to vector<64x128xi32>
      %threefry2x323A_89 = arith.shli %threefry2x323A_85, %threefry2x323A_88 : vector<64x128xi32>
      %threefry2x323A_90 = arith.constant 15 : i32
      %threefry2x323A_91 = vector.broadcast %threefry2x323A_90 : i32 to vector<64x128xi32>
      %threefry2x323A_92 = arith.shrui %threefry2x323A_85, %threefry2x323A_91 : vector<64x128xi32>
      %threefry2x323A_93 = arith.ori %threefry2x323A_89, %threefry2x323A_92 : vector<64x128xi32>
      %threefry2x323A_94 = arith.xori %threefry2x323A_86, %threefry2x323A_93 : vector<64x128xi32>
      %threefry2x323A_95 = arith.addi %threefry2x323A_86, %threefry2x323A_94 : vector<64x128xi32>
      %threefry2x323A_96 = arith.constant 29 : i32
      %threefry2x323A_97 = vector.broadcast %threefry2x323A_96 : i32 to vector<64x128xi32>
      %threefry2x323A_98 = arith.shli %threefry2x323A_94, %threefry2x323A_97 : vector<64x128xi32>
      %threefry2x323A_99 = arith.constant 3 : i32
      %threefry2x323A_100 = vector.broadcast %threefry2x323A_99 : i32 to vector<64x128xi32>
      %threefry2x323A_101 = arith.shrui %threefry2x323A_94, %threefry2x323A_100 : vector<64x128xi32>
      %threefry2x323A_102 = arith.ori %threefry2x323A_98, %threefry2x323A_101 : vector<64x128xi32>
      %threefry2x323A_103 = arith.xori %threefry2x323A_95, %threefry2x323A_102 : vector<64x128xi32>
      %threefry2x323A_104 = arith.addi %threefry2x323A_95, %threefry2x323A_103 : vector<64x128xi32>
      %threefry2x323A_105 = arith.constant 16 : i32
      %threefry2x323A_106 = vector.broadcast %threefry2x323A_105 : i32 to vector<64x128xi32>
      %threefry2x323A_107 = arith.shli %threefry2x323A_103, %threefry2x323A_106 : vector<64x128xi32>
      %threefry2x323A_108 = arith.constant 16 : i32
      %threefry2x323A_109 = vector.broadcast %threefry2x323A_108 : i32 to vector<64x128xi32>
      %threefry2x323A_110 = arith.shrui %threefry2x323A_103, %threefry2x323A_109 : vector<64x128xi32>
      %threefry2x323A_111 = arith.ori %threefry2x323A_107, %threefry2x323A_110 : vector<64x128xi32>
      %threefry2x323A_112 = arith.xori %threefry2x323A_104, %threefry2x323A_111 : vector<64x128xi32>
      %threefry2x323A_113 = arith.addi %threefry2x323A_104, %threefry2x323A_112 : vector<64x128xi32>
      %threefry2x323A_114 = arith.constant 24 : i32
      %threefry2x323A_115 = vector.broadcast %threefry2x323A_114 : i32 to vector<64x128xi32>
      %threefry2x323A_116 = arith.shli %threefry2x323A_112, %threefry2x323A_115 : vector<64x128xi32>
      %threefry2x323A_117 = arith.constant 8 : i32
      %threefry2x323A_118 = vector.broadcast %threefry2x323A_117 : i32 to vector<64x128xi32>
      %threefry2x323A_119 = arith.shrui %threefry2x323A_112, %threefry2x323A_118 : vector<64x128xi32>
      %threefry2x323A_120 = arith.ori %threefry2x323A_116, %threefry2x323A_119 : vector<64x128xi32>
      %threefry2x323A_121 = arith.xori %threefry2x323A_113, %threefry2x323A_120 : vector<64x128xi32>
      %threefry2x323A_122 = vector.broadcast %threefry2x323A_38 : i32 to vector<64x128xi32>
      %threefry2x323A_123 = arith.addi %threefry2x323A_113, %threefry2x323A_122 : vector<64x128xi32>
      %threefry2x323A_124 = vector.broadcast %threefry2x323A : i32 to vector<64x128xi32>
      %threefry2x323A_125 = arith.addi %threefry2x323A_121, %threefry2x323A_124 : vector<64x128xi32>
      %threefry2x323A_126 = arith.constant 2 : i32
      %threefry2x323A_127 = vector.broadcast %threefry2x323A_126 : i32 to vector<64x128xi32>
      %threefry2x323A_128 = arith.addi %threefry2x323A_125, %threefry2x323A_127 : vector<64x128xi32>
      %threefry2x323A_129 = arith.addi %threefry2x323A_123, %threefry2x323A_128 : vector<64x128xi32>
      %threefry2x323A_130 = arith.constant 13 : i32
      %threefry2x323A_131 = vector.broadcast %threefry2x323A_130 : i32 to vector<64x128xi32>
      %threefry2x323A_132 = arith.shli %threefry2x323A_128, %threefry2x323A_131 : vector<64x128xi32>
      %threefry2x323A_133 = arith.constant 19 : i32
      %threefry2x323A_134 = vector.broadcast %threefry2x323A_133 : i32 to vector<64x128xi32>
      %threefry2x323A_135 = arith.shrui %threefry2x323A_128, %threefry2x323A_134 : vector<64x128xi32>
      %threefry2x323A_136 = arith.ori %threefry2x323A_132, %threefry2x323A_135 : vector<64x128xi32>
      %threefry2x323A_137 = arith.xori %threefry2x323A_129, %threefry2x323A_136 : vector<64x128xi32>
      %threefry2x323A_138 = arith.addi %threefry2x323A_129, %threefry2x323A_137 : vector<64x128xi32>
      %threefry2x323A_139 = arith.constant 15 : i32
      %threefry2x323A_140 = vector.broadcast %threefry2x323A_139 : i32 to vector<64x128xi32>
      %threefry2x323A_141 = arith.shli %threefry2x323A_137, %threefry2x323A_140 : vector<64x128xi32>
      %threefry2x323A_142 = arith.constant 17 : i32
      %threefry2x323A_143 = vector.broadcast %threefry2x323A_142 : i32 to vector<64x128xi32>
      %threefry2x323A_144 = arith.shrui %threefry2x323A_137, %threefry2x323A_143 : vector<64x128xi32>
      %threefry2x323A_145 = arith.ori %threefry2x323A_141, %threefry2x323A_144 : vector<64x128xi32>
      %threefry2x323A_146 = arith.xori %threefry2x323A_138, %threefry2x323A_145 : vector<64x128xi32>
      %threefry2x323A_147 = arith.addi %threefry2x323A_138, %threefry2x323A_146 : vector<64x128xi32>
      %threefry2x323A_148 = arith.constant 26 : i32
      %threefry2x323A_149 = vector.broadcast %threefry2x323A_148 : i32 to vector<64x128xi32>
      %threefry2x323A_150 = arith.shli %threefry2x323A_146, %threefry2x323A_149 : vector<64x128xi32>
      %threefry2x323A_151 = arith.constant 6 : i32
      %threefry2x323A_152 = vector.broadcast %threefry2x323A_151 : i32 to vector<64x128xi32>
      %threefry2x323A_153 = arith.shrui %threefry2x323A_146, %threefry2x323A_152 : vector<64x128xi32>
      %threefry2x323A_154 = arith.ori %threefry2x323A_150, %threefry2x323A_153 : vector<64x128xi32>
      %threefry2x323A_155 = arith.xori %threefry2x323A_147, %threefry2x323A_154 : vector<64x128xi32>
      %threefry2x323A_156 = arith.addi %threefry2x323A_147, %threefry2x323A_155 : vector<64x128xi32>
      %threefry2x323A_157 = arith.constant 6 : i32
      %threefry2x323A_158 = vector.broadcast %threefry2x323A_157 : i32 to vector<64x128xi32>
      %threefry2x323A_159 = arith.shli %threefry2x323A_155, %threefry2x323A_158 : vector<64x128xi32>
      %threefry2x323A_160 = arith.constant 26 : i32
      %threefry2x323A_161 = vector.broadcast %threefry2x323A_160 : i32 to vector<64x128xi32>
      %threefry2x323A_162 = arith.shrui %threefry2x323A_155, %threefry2x323A_161 : vector<64x128xi32>
      %threefry2x323A_163 = arith.ori %threefry2x323A_159, %threefry2x323A_162 : vector<64x128xi32>
      %threefry2x323A_164 = arith.xori %threefry2x323A_156, %threefry2x323A_163 : vector<64x128xi32>
      %threefry2x323A_165 = vector.broadcast %threefry2x323A : i32 to vector<64x128xi32>
      %threefry2x323A_166 = arith.addi %threefry2x323A_156, %threefry2x323A_165 : vector<64x128xi32>
      %threefry2x323A_167 = vector.broadcast %threefry2x323A_35 : i32 to vector<64x128xi32>
      %threefry2x323A_168 = arith.addi %threefry2x323A_164, %threefry2x323A_167 : vector<64x128xi32>
      %threefry2x323A_169 = arith.constant 3 : i32
      %threefry2x323A_170 = vector.broadcast %threefry2x323A_169 : i32 to vector<64x128xi32>
      %threefry2x323A_171 = arith.addi %threefry2x323A_168, %threefry2x323A_170 : vector<64x128xi32>
      %threefry2x323A_172 = arith.addi %threefry2x323A_166, %threefry2x323A_171 : vector<64x128xi32>
      %threefry2x323A_173 = arith.constant 17 : i32
      %threefry2x323A_174 = vector.broadcast %threefry2x323A_173 : i32 to vector<64x128xi32>
      %threefry2x323A_175 = arith.shli %threefry2x323A_171, %threefry2x323A_174 : vector<64x128xi32>
      %threefry2x323A_176 = arith.constant 15 : i32
      %threefry2x323A_177 = vector.broadcast %threefry2x323A_176 : i32 to vector<64x128xi32>
      %threefry2x323A_178 = arith.shrui %threefry2x323A_171, %threefry2x323A_177 : vector<64x128xi32>
      %threefry2x323A_179 = arith.ori %threefry2x323A_175, %threefry2x323A_178 : vector<64x128xi32>
      %threefry2x323A_180 = arith.xori %threefry2x323A_172, %threefry2x323A_179 : vector<64x128xi32>
      %threefry2x323A_181 = arith.addi %threefry2x323A_172, %threefry2x323A_180 : vector<64x128xi32>
      %threefry2x323A_182 = arith.constant 29 : i32
      %threefry2x323A_183 = vector.broadcast %threefry2x323A_182 : i32 to vector<64x128xi32>
      %threefry2x323A_184 = arith.shli %threefry2x323A_180, %threefry2x323A_183 : vector<64x128xi32>
      %threefry2x323A_185 = arith.constant 3 : i32
      %threefry2x323A_186 = vector.broadcast %threefry2x323A_185 : i32 to vector<64x128xi32>
      %threefry2x323A_187 = arith.shrui %threefry2x323A_180, %threefry2x323A_186 : vector<64x128xi32>
      %threefry2x323A_188 = arith.ori %threefry2x323A_184, %threefry2x323A_187 : vector<64x128xi32>
      %threefry2x323A_189 = arith.xori %threefry2x323A_181, %threefry2x323A_188 : vector<64x128xi32>
      %threefry2x323A_190 = arith.addi %threefry2x323A_181, %threefry2x323A_189 : vector<64x128xi32>
      %threefry2x323A_191 = arith.constant 16 : i32
      %threefry2x323A_192 = vector.broadcast %threefry2x323A_191 : i32 to vector<64x128xi32>
      %threefry2x323A_193 = arith.shli %threefry2x323A_189, %threefry2x323A_192 : vector<64x128xi32>
      %threefry2x323A_194 = arith.constant 16 : i32
      %threefry2x323A_195 = vector.broadcast %threefry2x323A_194 : i32 to vector<64x128xi32>
      %threefry2x323A_196 = arith.shrui %threefry2x323A_189, %threefry2x323A_195 : vector<64x128xi32>
      %threefry2x323A_197 = arith.ori %threefry2x323A_193, %threefry2x323A_196 : vector<64x128xi32>
      %threefry2x323A_198 = arith.xori %threefry2x323A_190, %threefry2x323A_197 : vector<64x128xi32>
      %threefry2x323A_199 = arith.addi %threefry2x323A_190, %threefry2x323A_198 : vector<64x128xi32>
      %threefry2x323A_200 = arith.constant 24 : i32
      %threefry2x323A_201 = vector.broadcast %threefry2x323A_200 : i32 to vector<64x128xi32>
      %threefry2x323A_202 = arith.shli %threefry2x323A_198, %threefry2x323A_201 : vector<64x128xi32>
      %threefry2x323A_203 = arith.constant 8 : i32
      %threefry2x323A_204 = vector.broadcast %threefry2x323A_203 : i32 to vector<64x128xi32>
      %threefry2x323A_205 = arith.shrui %threefry2x323A_198, %threefry2x323A_204 : vector<64x128xi32>
      %threefry2x323A_206 = arith.ori %threefry2x323A_202, %threefry2x323A_205 : vector<64x128xi32>
      %threefry2x323A_207 = arith.xori %threefry2x323A_199, %threefry2x323A_206 : vector<64x128xi32>
      %threefry2x323A_208 = vector.broadcast %threefry2x323A_35 : i32 to vector<64x128xi32>
      %threefry2x323A_209 = arith.addi %threefry2x323A_199, %threefry2x323A_208 : vector<64x128xi32>
      %threefry2x323A_210 = vector.broadcast %threefry2x323A_38 : i32 to vector<64x128xi32>
      %threefry2x323A_211 = arith.addi %threefry2x323A_207, %threefry2x323A_210 : vector<64x128xi32>
      %threefry2x323A_212 = arith.constant 4 : i32
      %threefry2x323A_213 = vector.broadcast %threefry2x323A_212 : i32 to vector<64x128xi32>
      %threefry2x323A_214 = arith.addi %threefry2x323A_211, %threefry2x323A_213 : vector<64x128xi32>
      %threefry2x323A_215 = arith.addi %threefry2x323A_209, %threefry2x323A_214 : vector<64x128xi32>
      %threefry2x323A_216 = arith.constant 13 : i32
      %threefry2x323A_217 = vector.broadcast %threefry2x323A_216 : i32 to vector<64x128xi32>
      %threefry2x323A_218 = arith.shli %threefry2x323A_214, %threefry2x323A_217 : vector<64x128xi32>
      %threefry2x323A_219 = arith.constant 19 : i32
      %threefry2x323A_220 = vector.broadcast %threefry2x323A_219 : i32 to vector<64x128xi32>
      %threefry2x323A_221 = arith.shrui %threefry2x323A_214, %threefry2x323A_220 : vector<64x128xi32>
      %threefry2x323A_222 = arith.ori %threefry2x323A_218, %threefry2x323A_221 : vector<64x128xi32>
      %threefry2x323A_223 = arith.xori %threefry2x323A_215, %threefry2x323A_222 : vector<64x128xi32>
      %threefry2x323A_224 = arith.addi %threefry2x323A_215, %threefry2x323A_223 : vector<64x128xi32>
      %threefry2x323A_225 = arith.constant 15 : i32
      %threefry2x323A_226 = vector.broadcast %threefry2x323A_225 : i32 to vector<64x128xi32>
      %threefry2x323A_227 = arith.shli %threefry2x323A_223, %threefry2x323A_226 : vector<64x128xi32>
      %threefry2x323A_228 = arith.constant 17 : i32
      %threefry2x323A_229 = vector.broadcast %threefry2x323A_228 : i32 to vector<64x128xi32>
      %threefry2x323A_230 = arith.shrui %threefry2x323A_223, %threefry2x323A_229 : vector<64x128xi32>
      %threefry2x323A_231 = arith.ori %threefry2x323A_227, %threefry2x323A_230 : vector<64x128xi32>
      %threefry2x323A_232 = arith.xori %threefry2x323A_224, %threefry2x323A_231 : vector<64x128xi32>
      %threefry2x323A_233 = arith.addi %threefry2x323A_224, %threefry2x323A_232 : vector<64x128xi32>
      %threefry2x323A_234 = arith.constant 26 : i32
      %threefry2x323A_235 = vector.broadcast %threefry2x323A_234 : i32 to vector<64x128xi32>
      %threefry2x323A_236 = arith.shli %threefry2x323A_232, %threefry2x323A_235 : vector<64x128xi32>
      %threefry2x323A_237 = arith.constant 6 : i32
      %threefry2x323A_238 = vector.broadcast %threefry2x323A_237 : i32 to vector<64x128xi32>
      %threefry2x323A_239 = arith.shrui %threefry2x323A_232, %threefry2x323A_238 : vector<64x128xi32>
      %threefry2x323A_240 = arith.ori %threefry2x323A_236, %threefry2x323A_239 : vector<64x128xi32>
      %threefry2x323A_241 = arith.xori %threefry2x323A_233, %threefry2x323A_240 : vector<64x128xi32>
      %threefry2x323A_242 = arith.addi %threefry2x323A_233, %threefry2x323A_241 : vector<64x128xi32>
      %threefry2x323A_243 = arith.constant 6 : i32
      %threefry2x323A_244 = vector.broadcast %threefry2x323A_243 : i32 to vector<64x128xi32>
      %threefry2x323A_245 = arith.shli %threefry2x323A_241, %threefry2x323A_244 : vector<64x128xi32>
      %threefry2x323A_246 = arith.constant 26 : i32
      %threefry2x323A_247 = vector.broadcast %threefry2x323A_246 : i32 to vector<64x128xi32>
      %threefry2x323A_248 = arith.shrui %threefry2x323A_241, %threefry2x323A_247 : vector<64x128xi32>
      %threefry2x323A_249 = arith.ori %threefry2x323A_245, %threefry2x323A_248 : vector<64x128xi32>
      %threefry2x323A_250 = arith.xori %threefry2x323A_242, %threefry2x323A_249 : vector<64x128xi32>
      %threefry2x323A_251 = vector.broadcast %threefry2x323A_38 : i32 to vector<64x128xi32>
      %threefry2x323A_252 = arith.addi %threefry2x323A_242, %threefry2x323A_251 : vector<64x128xi32>
      %threefry2x323A_253 = vector.broadcast %threefry2x323A : i32 to vector<64x128xi32>
      %threefry2x323A_254 = arith.addi %threefry2x323A_250, %threefry2x323A_253 : vector<64x128xi32>
      %threefry2x323A_255 = arith.constant 5 : i32
      %threefry2x323A_256 = vector.broadcast %threefry2x323A_255 : i32 to vector<64x128xi32>
      %threefry2x323A_257 = arith.addi %threefry2x323A_254, %threefry2x323A_256 : vector<64x128xi32>
      "tpu.trace_stop"() : () -> ()
      %xor3A = arith.xori %threefry2x323A_252, %threefry2x323A_257 : vector<64x128xi32>
      %shift_right_logical3A = arith.constant 9 : i32
      %shift_right_logical3A_258 = vector.broadcast %shift_right_logical3A : i32 to vector<64x128xi32>
      %shift_right_logical3A_259 = arith.shrui %xor3A, %shift_right_logical3A_258 : vector<64x128xi32>
      %or3A = arith.constant 1065353216 : i32
      %or3A_260 = vector.broadcast %or3A : i32 to vector<64x128xi32>
      %or3A_261 = arith.ori %shift_right_logical3A_259, %or3A_260 : vector<64x128xi32>
      %bitcast_convert_type3A = tpu.bitcast %or3A_261 : vector<64x128xi32> -> vector<64x128xf32>
      %sub3A = arith.constant 1.000000e+00 : f32
      %sub3A_262 = vector.broadcast %sub3A : f32 to vector<64x128xf32>
      %sub3A_263 = arith.subf %bitcast_convert_type3A, %sub3A_262 : vector<64x128xf32>
      %mul3A_264 = arith.constant 1.000000e+00 : f32
      %mul3A_265 = vector.broadcast %mul3A_264 : f32 to vector<64x128xf32>
      %mul3A_266 = arith.mulf %sub3A_263, %mul3A_265 : vector<64x128xf32>
      %add3A_267 = arith.constant 1.17549435E-38 : f32
      %add3A_268 = vector.broadcast %add3A_267 : f32 to vector<64x128xf32>
      %add3A_269 = arith.addf %mul3A_266, %add3A_268 : vector<64x128xf32>
      %max3A = arith.constant 1.17549435E-38 : f32
      %max3A_270 = vector.broadcast %max3A : f32 to vector<64x128xf32>
      %max3A_271 = arith.maximumf %max3A_270, %add3A_269 : vector<64x128xf32>
      %mul3A_272 = arith.constant 128 : i32
      %mul3A_273 = arith.muli %scan3A_26, %mul3A_272 : i32
      %get3A = arith.constant 0 : index
      %get3A_274 = arith.index_cast %mul3A_273 : i32 to index
      %get3A_275 = vector.load %arg3[%get3A, %get3A_274] : memref<64x8192xf32, #tpu.memory_space<vmem>>, vector<64x128xf32>
      %log3A = math.log %max3A_271 : vector<64x128xf32>
      %neg3A = arith.constant 0.000000e+00 : f32
      %neg3A_276 = vector.broadcast %neg3A : f32 to vector<64x128xf32>
      %neg3A_277 = arith.subf %neg3A_276, %log3A : vector<64x128xf32>
      %log3A_278 = math.log %neg3A_277 : vector<64x128xf32>
      %neg3A_279 = arith.constant 0.000000e+00 : f32
      %neg3A_280 = vector.broadcast %neg3A_279 : f32 to vector<64x128xf32>
      %neg3A_281 = arith.subf %neg3A_280, %log3A_278 : vector<64x128xf32>
      %add3A_282 = arith.addf %neg3A_281, %get3A_275 : vector<64x128xf32>
      %gt3A = arith.cmpf ogt, %add3A_282, %scan3A_27 : vector<64x128xf32>
      %mul3A_283 = arith.constant 128 : i32
      %mul3A_284 = arith.muli %scan3A_26, %mul3A_283 : i32
      %add3A_285 = vector.broadcast %mul3A_284 : i32 to vector<64x128xi32>
      %add3A_286 = arith.addi %add3A_285, %iota3A_2 : vector<64x128xi32>
      %select_n3A_287 = arith.select %gt3A, %add3A_286, %scan3A_28 : vector<64x128xi1>, vector<64x128xi32>
      %select_n3A_288 = arith.select %gt3A, %add3A_282, %scan3A_27 : vector<64x128xi1>, vector<64x128xf32>
      %scan3A_289 = arith.constant 1 : i32
      %scan3A_290 = arith.addi %scan3A_26, %scan3A_289 : i32
      %mul3A_291 = arith.constant 128 : i32
      %mul3A_292 = arith.muli %scan3A_290, %mul3A_291 : i32
      %add3A_293 = vector.broadcast %mul3A_292 : i32 to vector<64x128xi32>
      %add3A_294 = arith.addi %add3A_8, %add3A_293 : vector<64x128xi32>
      %broadcast_in_dim3A_295 = arith.constant 0 : i32
      %broadcast_in_dim3A_296 = vector.broadcast %broadcast_in_dim3A_295 : i32 to vector<64x128xi32>
      %threefry2x323A_297 = arith.constant 0 : i32
      %threefry2x323A_298 = arith.constant 2 : i32
      "tpu.trace_start"() <{level = 10 : i32, message = "threefry2x32"}> : () -> ()
      %threefry2x323A_299 = arith.xori %threefry2x323A_297, %threefry2x323A_298 : i32
      %threefry2x323A_300 = arith.constant 466688986 : i32
      %threefry2x323A_301 = arith.xori %threefry2x323A_299, %threefry2x323A_300 : i32
      %threefry2x323A_302 = vector.broadcast %threefry2x323A_297 : i32 to vector<64x128xi32>
      %threefry2x323A_303 = arith.addi %broadcast_in_dim3A_296, %threefry2x323A_302 : vector<64x128xi32>
      %threefry2x323A_304 = vector.broadcast %threefry2x323A_298 : i32 to vector<64x128xi32>
      %threefry2x323A_305 = arith.addi %add3A_294, %threefry2x323A_304 : vector<64x128xi32>
      %threefry2x323A_306 = arith.addi %threefry2x323A_303, %threefry2x323A_305 : vector<64x128xi32>
      %threefry2x323A_307 = arith.constant 13 : i32
      %threefry2x323A_308 = vector.broadcast %threefry2x323A_307 : i32 to vector<64x128xi32>
      %threefry2x323A_309 = arith.shli %threefry2x323A_305, %threefry2x323A_308 : vector<64x128xi32>
      %threefry2x323A_310 = arith.constant 19 : i32
      %threefry2x323A_311 = vector.broadcast %threefry2x323A_310 : i32 to vector<64x128xi32>
      %threefry2x323A_312 = arith.shrui %threefry2x323A_305, %threefry2x323A_311 : vector<64x128xi32>
      %threefry2x323A_313 = arith.ori %threefry2x323A_309, %threefry2x323A_312 : vector<64x128xi32>
      %threefry2x323A_314 = arith.xori %threefry2x323A_306, %threefry2x323A_313 : vector<64x128xi32>
      %threefry2x323A_315 = arith.addi %threefry2x323A_306, %threefry2x323A_314 : vector<64x128xi32>
      %threefry2x323A_316 = arith.constant 15 : i32
      %threefry2x323A_317 = vector.broadcast %threefry2x323A_316 : i32 to vector<64x128xi32>
      %threefry2x323A_318 = arith.shli %threefry2x323A_314, %threefry2x323A_317 : vector<64x128xi32>
      %threefry2x323A_319 = arith.constant 17 : i32
      %threefry2x323A_320 = vector.broadcast %threefry2x323A_319 : i32 to vector<64x128xi32>
      %threefry2x323A_321 = arith.shrui %threefry2x323A_314, %threefry2x323A_320 : vector<64x128xi32>
      %threefry2x323A_322 = arith.ori %threefry2x323A_318, %threefry2x323A_321 : vector<64x128xi32>
      %threefry2x323A_323 = arith.xori %threefry2x323A_315, %threefry2x323A_322 : vector<64x128xi32>
      %threefry2x323A_324 = arith.addi %threefry2x323A_315, %threefry2x323A_323 : vector<64x128xi32>
      %threefry2x323A_325 = arith.constant 26 : i32
      %threefry2x323A_326 = vector.broadcast %threefry2x323A_325 : i32 to vector<64x128xi32>
      %threefry2x323A_327 = arith.shli %threefry2x323A_323, %threefry2x323A_326 : vector<64x128xi32>
      %threefry2x323A_328 = arith.constant 6 : i32
      %threefry2x323A_329 = vector.broadcast %threefry2x323A_328 : i32 to vector<64x128xi32>
      %threefry2x323A_330 = arith.shrui %threefry2x323A_323, %threefry2x323A_329 : vector<64x128xi32>
      %threefry2x323A_331 = arith.ori %threefry2x323A_327, %threefry2x323A_330 : vector<64x128xi32>
      %threefry2x323A_332 = arith.xori %threefry2x323A_324, %threefry2x323A_331 : vector<64x128xi32>
      %threefry2x323A_333 = arith.addi %threefry2x323A_324, %threefry2x323A_332 : vector<64x128xi32>
      %threefry2x323A_334 = arith.constant 6 : i32
      %threefry2x323A_335 = vector.broadcast %threefry2x323A_334 : i32 to vector<64x128xi32>
      %threefry2x323A_336 = arith.shli %threefry2x323A_332, %threefry2x323A_335 : vector<64x128xi32>
      %threefry2x323A_337 = arith.constant 26 : i32
      %threefry2x323A_338 = vector.broadcast %threefry2x323A_337 : i32 to vector<64x128xi32>
      %threefry2x323A_339 = arith.shrui %threefry2x323A_332, %threefry2x323A_338 : vector<64x128xi32>
      %threefry2x323A_340 = arith.ori %threefry2x323A_336, %threefry2x323A_339 : vector<64x128xi32>
      %threefry2x323A_341 = arith.xori %threefry2x323A_333, %threefry2x323A_340 : vector<64x128xi32>
      %threefry2x323A_342 = vector.broadcast %threefry2x323A_298 : i32 to vector<64x128xi32>
      %threefry2x323A_343 = arith.addi %threefry2x323A_333, %threefry2x323A_342 : vector<64x128xi32>
      %threefry2x323A_344 = vector.broadcast %threefry2x323A_301 : i32 to vector<64x128xi32>
      %threefry2x323A_345 = arith.addi %threefry2x323A_341, %threefry2x323A_344 : vector<64x128xi32>
      %threefry2x323A_346 = arith.constant 1 : i32
      %threefry2x323A_347 = vector.broadcast %threefry2x323A_346 : i32 to vector<64x128xi32>
      %threefry2x323A_348 = arith.addi %threefry2x323A_345, %threefry2x323A_347 : vector<64x128xi32>
      %threefry2x323A_349 = arith.addi %threefry2x323A_343, %threefry2x323A_348 : vector<64x128xi32>
      %threefry2x323A_350 = arith.constant 17 : i32
      %threefry2x323A_351 = vector.broadcast %threefry2x323A_350 : i32 to vector<64x128xi32>
      %threefry2x323A_352 = arith.shli %threefry2x323A_348, %threefry2x323A_351 : vector<64x128xi32>
      %threefry2x323A_353 = arith.constant 15 : i32
      %threefry2x323A_354 = vector.broadcast %threefry2x323A_353 : i32 to vector<64x128xi32>
      %threefry2x323A_355 = arith.shrui %threefry2x323A_348, %threefry2x323A_354 : vector<64x128xi32>
      %threefry2x323A_356 = arith.ori %threefry2x323A_352, %threefry2x323A_355 : vector<64x128xi32>
      %threefry2x323A_357 = arith.xori %threefry2x323A_349, %threefry2x323A_356 : vector<64x128xi32>
      %threefry2x323A_358 = arith.addi %threefry2x323A_349, %threefry2x323A_357 : vector<64x128xi32>
      %threefry2x323A_359 = arith.constant 29 : i32
      %threefry2x323A_360 = vector.broadcast %threefry2x323A_359 : i32 to vector<64x128xi32>
      %threefry2x323A_361 = arith.shli %threefry2x323A_357, %threefry2x323A_360 : vector<64x128xi32>
      %threefry2x323A_362 = arith.constant 3 : i32
      %threefry2x323A_363 = vector.broadcast %threefry2x323A_362 : i32 to vector<64x128xi32>
      %threefry2x323A_364 = arith.shrui %threefry2x323A_357, %threefry2x323A_363 : vector<64x128xi32>
      %threefry2x323A_365 = arith.ori %threefry2x323A_361, %threefry2x323A_364 : vector<64x128xi32>
      %threefry2x323A_366 = arith.xori %threefry2x323A_358, %threefry2x323A_365 : vector<64x128xi32>
      %threefry2x323A_367 = arith.addi %threefry2x323A_358, %threefry2x323A_366 : vector<64x128xi32>
      %threefry2x323A_368 = arith.constant 16 : i32
      %threefry2x323A_369 = vector.broadcast %threefry2x323A_368 : i32 to vector<64x128xi32>
      %threefry2x323A_370 = arith.shli %threefry2x323A_366, %threefry2x323A_369 : vector<64x128xi32>
      %threefry2x323A_371 = arith.constant 16 : i32
      %threefry2x323A_372 = vector.broadcast %threefry2x323A_371 : i32 to vector<64x128xi32>
      %threefry2x323A_373 = arith.shrui %threefry2x323A_366, %threefry2x323A_372 : vector<64x128xi32>
      %threefry2x323A_374 = arith.ori %threefry2x323A_370, %threefry2x323A_373 : vector<64x128xi32>
      %threefry2x323A_375 = arith.xori %threefry2x323A_367, %threefry2x323A_374 : vector<64x128xi32>
      %threefry2x323A_376 = arith.addi %threefry2x323A_367, %threefry2x323A_375 : vector<64x128xi32>
      %threefry2x323A_377 = arith.constant 24 : i32
      %threefry2x323A_378 = vector.broadcast %threefry2x323A_377 : i32 to vector<64x128xi32>
      %threefry2x323A_379 = arith.shli %threefry2x323A_375, %threefry2x323A_378 : vector<64x128xi32>
      %threefry2x323A_380 = arith.constant 8 : i32
      %threefry2x323A_381 = vector.broadcast %threefry2x323A_380 : i32 to vector<64x128xi32>
      %threefry2x323A_382 = arith.shrui %threefry2x323A_375, %threefry2x323A_381 : vector<64x128xi32>
      %threefry2x323A_383 = arith.ori %threefry2x323A_379, %threefry2x323A_382 : vector<64x128xi32>
      %threefry2x323A_384 = arith.xori %threefry2x323A_376, %threefry2x323A_383 : vector<64x128xi32>
      %threefry2x323A_385 = vector.broadcast %threefry2x323A_301 : i32 to vector<64x128xi32>
      %threefry2x323A_386 = arith.addi %threefry2x323A_376, %threefry2x323A_385 : vector<64x128xi32>
      %threefry2x323A_387 = vector.broadcast %threefry2x323A_297 : i32 to vector<64x128xi32>
      %threefry2x323A_388 = arith.addi %threefry2x323A_384, %threefry2x323A_387 : vector<64x128xi32>
      %threefry2x323A_389 = arith.constant 2 : i32
      %threefry2x323A_390 = vector.broadcast %threefry2x323A_389 : i32 to vector<64x128xi32>
      %threefry2x323A_391 = arith.addi %threefry2x323A_388, %threefry2x323A_390 : vector<64x128xi32>
      %threefry2x323A_392 = arith.addi %threefry2x323A_386, %threefry2x323A_391 : vector<64x128xi32>
      %threefry2x323A_393 = arith.constant 13 : i32
      %threefry2x323A_394 = vector.broadcast %threefry2x323A_393 : i32 to vector<64x128xi32>
      %threefry2x323A_395 = arith.shli %threefry2x323A_391, %threefry2x323A_394 : vector<64x128xi32>
      %threefry2x323A_396 = arith.constant 19 : i32
      %threefry2x323A_397 = vector.broadcast %threefry2x323A_396 : i32 to vector<64x128xi32>
      %threefry2x323A_398 = arith.shrui %threefry2x323A_391, %threefry2x323A_397 : vector<64x128xi32>
      %threefry2x323A_399 = arith.ori %threefry2x323A_395, %threefry2x323A_398 : vector<64x128xi32>
      %threefry2x323A_400 = arith.xori %threefry2x323A_392, %threefry2x323A_399 : vector<64x128xi32>
      %threefry2x323A_401 = arith.addi %threefry2x323A_392, %threefry2x323A_400 : vector<64x128xi32>
      %threefry2x323A_402 = arith.constant 15 : i32
      %threefry2x323A_403 = vector.broadcast %threefry2x323A_402 : i32 to vector<64x128xi32>
      %threefry2x323A_404 = arith.shli %threefry2x323A_400, %threefry2x323A_403 : vector<64x128xi32>
      %threefry2x323A_405 = arith.constant 17 : i32
      %threefry2x323A_406 = vector.broadcast %threefry2x323A_405 : i32 to vector<64x128xi32>
      %threefry2x323A_407 = arith.shrui %threefry2x323A_400, %threefry2x323A_406 : vector<64x128xi32>
      %threefry2x323A_408 = arith.ori %threefry2x323A_404, %threefry2x323A_407 : vector<64x128xi32>
      %threefry2x323A_409 = arith.xori %threefry2x323A_401, %threefry2x323A_408 : vector<64x128xi32>
      %threefry2x323A_410 = arith.addi %threefry2x323A_401, %threefry2x323A_409 : vector<64x128xi32>
      %threefry2x323A_411 = arith.constant 26 : i32
      %threefry2x323A_412 = vector.broadcast %threefry2x323A_411 : i32 to vector<64x128xi32>
      %threefry2x323A_413 = arith.shli %threefry2x323A_409, %threefry2x323A_412 : vector<64x128xi32>
      %threefry2x323A_414 = arith.constant 6 : i32
      %threefry2x323A_415 = vector.broadcast %threefry2x323A_414 : i32 to vector<64x128xi32>
      %threefry2x323A_416 = arith.shrui %threefry2x323A_409, %threefry2x323A_415 : vector<64x128xi32>
      %threefry2x323A_417 = arith.ori %threefry2x323A_413, %threefry2x323A_416 : vector<64x128xi32>
      %threefry2x323A_418 = arith.xori %threefry2x323A_410, %threefry2x323A_417 : vector<64x128xi32>
      %threefry2x323A_419 = arith.addi %threefry2x323A_410, %threefry2x323A_418 : vector<64x128xi32>
      %threefry2x323A_420 = arith.constant 6 : i32
      %threefry2x323A_421 = vector.broadcast %threefry2x323A_420 : i32 to vector<64x128xi32>
      %threefry2x323A_422 = arith.shli %threefry2x323A_418, %threefry2x323A_421 : vector<64x128xi32>
      %threefry2x323A_423 = arith.constant 26 : i32
      %threefry2x323A_424 = vector.broadcast %threefry2x323A_423 : i32 to vector<64x128xi32>
      %threefry2x323A_425 = arith.shrui %threefry2x323A_418, %threefry2x323A_424 : vector<64x128xi32>
      %threefry2x323A_426 = arith.ori %threefry2x323A_422, %threefry2x323A_425 : vector<64x128xi32>
      %threefry2x323A_427 = arith.xori %threefry2x323A_419, %threefry2x323A_426 : vector<64x128xi32>
      %threefry2x323A_428 = vector.broadcast %threefry2x323A_297 : i32 to vector<64x128xi32>
      %threefry2x323A_429 = arith.addi %threefry2x323A_419, %threefry2x323A_428 : vector<64x128xi32>
      %threefry2x323A_430 = vector.broadcast %threefry2x323A_298 : i32 to vector<64x128xi32>
      %threefry2x323A_431 = arith.addi %threefry2x323A_427, %threefry2x323A_430 : vector<64x128xi32>
      %threefry2x323A_432 = arith.constant 3 : i32
      %threefry2x323A_433 = vector.broadcast %threefry2x323A_432 : i32 to vector<64x128xi32>
      %threefry2x323A_434 = arith.addi %threefry2x323A_431, %threefry2x323A_433 : vector<64x128xi32>
      %threefry2x323A_435 = arith.addi %threefry2x323A_429, %threefry2x323A_434 : vector<64x128xi32>
      %threefry2x323A_436 = arith.constant 17 : i32
      %threefry2x323A_437 = vector.broadcast %threefry2x323A_436 : i32 to vector<64x128xi32>
      %threefry2x323A_438 = arith.shli %threefry2x323A_434, %threefry2x323A_437 : vector<64x128xi32>
      %threefry2x323A_439 = arith.constant 15 : i32
      %threefry2x323A_440 = vector.broadcast %threefry2x323A_439 : i32 to vector<64x128xi32>
      %threefry2x323A_441 = arith.shrui %threefry2x323A_434, %threefry2x323A_440 : vector<64x128xi32>
      %threefry2x323A_442 = arith.ori %threefry2x323A_438, %threefry2x323A_441 : vector<64x128xi32>
      %threefry2x323A_443 = arith.xori %threefry2x323A_435, %threefry2x323A_442 : vector<64x128xi32>
      %threefry2x323A_444 = arith.addi %threefry2x323A_435, %threefry2x323A_443 : vector<64x128xi32>
      %threefry2x323A_445 = arith.constant 29 : i32
      %threefry2x323A_446 = vector.broadcast %threefry2x323A_445 : i32 to vector<64x128xi32>
      %threefry2x323A_447 = arith.shli %threefry2x323A_443, %threefry2x323A_446 : vector<64x128xi32>
      %threefry2x323A_448 = arith.constant 3 : i32
      %threefry2x323A_449 = vector.broadcast %threefry2x323A_448 : i32 to vector<64x128xi32>
      %threefry2x323A_450 = arith.shrui %threefry2x323A_443, %threefry2x323A_449 : vector<64x128xi32>
      %threefry2x323A_451 = arith.ori %threefry2x323A_447, %threefry2x323A_450 : vector<64x128xi32>
      %threefry2x323A_452 = arith.xori %threefry2x323A_444, %threefry2x323A_451 : vector<64x128xi32>
      %threefry2x323A_453 = arith.addi %threefry2x323A_444, %threefry2x323A_452 : vector<64x128xi32>
      %threefry2x323A_454 = arith.constant 16 : i32
      %threefry2x323A_455 = vector.broadcast %threefry2x323A_454 : i32 to vector<64x128xi32>
      %threefry2x323A_456 = arith.shli %threefry2x323A_452, %threefry2x323A_455 : vector<64x128xi32>
      %threefry2x323A_457 = arith.constant 16 : i32
      %threefry2x323A_458 = vector.broadcast %threefry2x323A_457 : i32 to vector<64x128xi32>
      %threefry2x323A_459 = arith.shrui %threefry2x323A_452, %threefry2x323A_458 : vector<64x128xi32>
      %threefry2x323A_460 = arith.ori %threefry2x323A_456, %threefry2x323A_459 : vector<64x128xi32>
      %threefry2x323A_461 = arith.xori %threefry2x323A_453, %threefry2x323A_460 : vector<64x128xi32>
      %threefry2x323A_462 = arith.addi %threefry2x323A_453, %threefry2x323A_461 : vector<64x128xi32>
      %threefry2x323A_463 = arith.constant 24 : i32
      %threefry2x323A_464 = vector.broadcast %threefry2x323A_463 : i32 to vector<64x128xi32>
      %threefry2x323A_465 = arith.shli %threefry2x323A_461, %threefry2x323A_464 : vector<64x128xi32>
      %threefry2x323A_466 = arith.constant 8 : i32
      %threefry2x323A_467 = vector.broadcast %threefry2x323A_466 : i32 to vector<64x128xi32>
      %threefry2x323A_468 = arith.shrui %threefry2x323A_461, %threefry2x323A_467 : vector<64x128xi32>
      %threefry2x323A_469 = arith.ori %threefry2x323A_465, %threefry2x323A_468 : vector<64x128xi32>
      %threefry2x323A_470 = arith.xori %threefry2x323A_462, %threefry2x323A_469 : vector<64x128xi32>
      %threefry2x323A_471 = vector.broadcast %threefry2x323A_298 : i32 to vector<64x128xi32>
      %threefry2x323A_472 = arith.addi %threefry2x323A_462, %threefry2x323A_471 : vector<64x128xi32>
      %threefry2x323A_473 = vector.broadcast %threefry2x323A_301 : i32 to vector<64x128xi32>
      %threefry2x323A_474 = arith.addi %threefry2x323A_470, %threefry2x323A_473 : vector<64x128xi32>
      %threefry2x323A_475 = arith.constant 4 : i32
      %threefry2x323A_476 = vector.broadcast %threefry2x323A_475 : i32 to vector<64x128xi32>
      %threefry2x323A_477 = arith.addi %threefry2x323A_474, %threefry2x323A_476 : vector<64x128xi32>
      %threefry2x323A_478 = arith.addi %threefry2x323A_472, %threefry2x323A_477 : vector<64x128xi32>
      %threefry2x323A_479 = arith.constant 13 : i32
      %threefry2x323A_480 = vector.broadcast %threefry2x323A_479 : i32 to vector<64x128xi32>
      %threefry2x323A_481 = arith.shli %threefry2x323A_477, %threefry2x323A_480 : vector<64x128xi32>
      %threefry2x323A_482 = arith.constant 19 : i32
      %threefry2x323A_483 = vector.broadcast %threefry2x323A_482 : i32 to vector<64x128xi32>
      %threefry2x323A_484 = arith.shrui %threefry2x323A_477, %threefry2x323A_483 : vector<64x128xi32>
      %threefry2x323A_485 = arith.ori %threefry2x323A_481, %threefry2x323A_484 : vector<64x128xi32>
      %threefry2x323A_486 = arith.xori %threefry2x323A_478, %threefry2x323A_485 : vector<64x128xi32>
      %threefry2x323A_487 = arith.addi %threefry2x323A_478, %threefry2x323A_486 : vector<64x128xi32>
      %threefry2x323A_488 = arith.constant 15 : i32
      %threefry2x323A_489 = vector.broadcast %threefry2x323A_488 : i32 to vector<64x128xi32>
      %threefry2x323A_490 = arith.shli %threefry2x323A_486, %threefry2x323A_489 : vector<64x128xi32>
      %threefry2x323A_491 = arith.constant 17 : i32
      %threefry2x323A_492 = vector.broadcast %threefry2x323A_491 : i32 to vector<64x128xi32>
      %threefry2x323A_493 = arith.shrui %threefry2x323A_486, %threefry2x323A_492 : vector<64x128xi32>
      %threefry2x323A_494 = arith.ori %threefry2x323A_490, %threefry2x323A_493 : vector<64x128xi32>
      %threefry2x323A_495 = arith.xori %threefry2x323A_487, %threefry2x323A_494 : vector<64x128xi32>
      %threefry2x323A_496 = arith.addi %threefry2x323A_487, %threefry2x323A_495 : vector<64x128xi32>
      %threefry2x323A_497 = arith.constant 26 : i32
      %threefry2x323A_498 = vector.broadcast %threefry2x323A_497 : i32 to vector<64x128xi32>
      %threefry2x323A_499 = arith.shli %threefry2x323A_495, %threefry2x323A_498 : vector<64x128xi32>
      %threefry2x323A_500 = arith.constant 6 : i32
      %threefry2x323A_501 = vector.broadcast %threefry2x323A_500 : i32 to vector<64x128xi32>
      %threefry2x323A_502 = arith.shrui %threefry2x323A_495, %threefry2x323A_501 : vector<64x128xi32>
      %threefry2x323A_503 = arith.ori %threefry2x323A_499, %threefry2x323A_502 : vector<64x128xi32>
      %threefry2x323A_504 = arith.xori %threefry2x323A_496, %threefry2x323A_503 : vector<64x128xi32>
      %threefry2x323A_505 = arith.addi %threefry2x323A_496, %threefry2x323A_504 : vector<64x128xi32>
      %threefry2x323A_506 = arith.constant 6 : i32
      %threefry2x323A_507 = vector.broadcast %threefry2x323A_506 : i32 to vector<64x128xi32>
      %threefry2x323A_508 = arith.shli %threefry2x323A_504, %threefry2x323A_507 : vector<64x128xi32>
      %threefry2x323A_509 = arith.constant 26 : i32
      %threefry2x323A_510 = vector.broadcast %threefry2x323A_509 : i32 to vector<64x128xi32>
      %threefry2x323A_511 = arith.shrui %threefry2x323A_504, %threefry2x323A_510 : vector<64x128xi32>
      %threefry2x323A_512 = arith.ori %threefry2x323A_508, %threefry2x323A_511 : vector<64x128xi32>
      %threefry2x323A_513 = arith.xori %threefry2x323A_505, %threefry2x323A_512 : vector<64x128xi32>
      %threefry2x323A_514 = vector.broadcast %threefry2x323A_301 : i32 to vector<64x128xi32>
      %threefry2x323A_515 = arith.addi %threefry2x323A_505, %threefry2x323A_514 : vector<64x128xi32>
      %threefry2x323A_516 = vector.broadcast %threefry2x323A_297 : i32 to vector<64x128xi32>
      %threefry2x323A_517 = arith.addi %threefry2x323A_513, %threefry2x323A_516 : vector<64x128xi32>
      %threefry2x323A_518 = arith.constant 5 : i32
      %threefry2x323A_519 = vector.broadcast %threefry2x323A_518 : i32 to vector<64x128xi32>
      %threefry2x323A_520 = arith.addi %threefry2x323A_517, %threefry2x323A_519 : vector<64x128xi32>
      "tpu.trace_stop"() : () -> ()
      %xor3A_521 = arith.xori %threefry2x323A_515, %threefry2x323A_520 : vector<64x128xi32>
      %shift_right_logical3A_522 = arith.constant 9 : i32
      %shift_right_logical3A_523 = vector.broadcast %shift_right_logical3A_522 : i32 to vector<64x128xi32>
      %shift_right_logical3A_524 = arith.shrui %xor3A_521, %shift_right_logical3A_523 : vector<64x128xi32>
      %or3A_525 = arith.constant 1065353216 : i32
      %or3A_526 = vector.broadcast %or3A_525 : i32 to vector<64x128xi32>
      %or3A_527 = arith.ori %shift_right_logical3A_524, %or3A_526 : vector<64x128xi32>
      %bitcast_convert_type3A_528 = tpu.bitcast %or3A_527 : vector<64x128xi32> -> vector<64x128xf32>
      %sub3A_529 = arith.constant 1.000000e+00 : f32
      %sub3A_530 = vector.broadcast %sub3A_529 : f32 to vector<64x128xf32>
      %sub3A_531 = arith.subf %bitcast_convert_type3A_528, %sub3A_530 : vector<64x128xf32>
      %mul3A_532 = arith.constant 1.000000e+00 : f32
      %mul3A_533 = vector.broadcast %mul3A_532 : f32 to vector<64x128xf32>
      %mul3A_534 = arith.mulf %sub3A_531, %mul3A_533 : vector<64x128xf32>
      %add3A_535 = arith.constant 1.17549435E-38 : f32
      %add3A_536 = vector.broadcast %add3A_535 : f32 to vector<64x128xf32>
      %add3A_537 = arith.addf %mul3A_534, %add3A_536 : vector<64x128xf32>
      %max3A_538 = arith.constant 1.17549435E-38 : f32
      %max3A_539 = vector.broadcast %max3A_538 : f32 to vector<64x128xf32>
      %max3A_540 = arith.maximumf %max3A_539, %add3A_537 : vector<64x128xf32>
      %mul3A_541 = arith.constant 128 : i32
      %mul3A_542 = arith.muli %scan3A_290, %mul3A_541 : i32
      %get3A_543 = arith.constant 0 : index
      %get3A_544 = arith.index_cast %mul3A_542 : i32 to index
      %get3A_545 = vector.load %arg3[%get3A_543, %get3A_544] : memref<64x8192xf32, #tpu.memory_space<vmem>>, vector<64x128xf32>
      %log3A_546 = math.log %max3A_540 : vector<64x128xf32>
      %neg3A_547 = arith.constant 0.000000e+00 : f32
      %neg3A_548 = vector.broadcast %neg3A_547 : f32 to vector<64x128xf32>
      %neg3A_549 = arith.subf %neg3A_548, %log3A_546 : vector<64x128xf32>
      %log3A_550 = math.log %neg3A_549 : vector<64x128xf32>
      %neg3A_551 = arith.constant 0.000000e+00 : f32
      %neg3A_552 = vector.broadcast %neg3A_551 : f32 to vector<64x128xf32>
      %neg3A_553 = arith.subf %neg3A_552, %log3A_550 : vector<64x128xf32>
      %add3A_554 = arith.addf %neg3A_553, %get3A_545 : vector<64x128xf32>
      %gt3A_555 = arith.cmpf ogt, %add3A_554, %select_n3A_288 : vector<64x128xf32>
      %mul3A_556 = arith.constant 128 : i32
      %mul3A_557 = arith.muli %scan3A_290, %mul3A_556 : i32
      %add3A_558 = vector.broadcast %mul3A_557 : i32 to vector<64x128xi32>
      %add3A_559 = arith.addi %add3A_558, %iota3A_2 : vector<64x128xi32>
      %select_n3A_560 = arith.select %gt3A_555, %add3A_559, %select_n3A_287 : vector<64x128xi1>, vector<64x128xi32>
      %select_n3A_561 = arith.select %gt3A_555, %add3A_554, %select_n3A_288 : vector<64x128xi1>, vector<64x128xf32>
      %scan3A_562 = arith.constant 2 : i32
      %scan3A_563 = arith.addi %scan3A_26, %scan3A_562 : i32
      %mul3A_564 = arith.constant 128 : i32
      %mul3A_565 = arith.muli %scan3A_563, %mul3A_564 : i32
      %add3A_566 = vector.broadcast %mul3A_565 : i32 to vector<64x128xi32>
      %add3A_567 = arith.addi %add3A_8, %add3A_566 : vector<64x128xi32>
      %broadcast_in_dim3A_568 = arith.constant 0 : i32
      %broadcast_in_dim3A_569 = vector.broadcast %broadcast_in_dim3A_568 : i32 to vector<64x128xi32>
      %threefry2x323A_570 = arith.constant 0 : i32
      %threefry2x323A_571 = arith.constant 2 : i32
      "tpu.trace_start"() <{level = 10 : i32, message = "threefry2x32"}> : () -> ()
      %threefry2x323A_572 = arith.xori %threefry2x323A_570, %threefry2x323A_571 : i32
      %threefry2x323A_573 = arith.constant 466688986 : i32
      %threefry2x323A_574 = arith.xori %threefry2x323A_572, %threefry2x323A_573 : i32
      %threefry2x323A_575 = vector.broadcast %threefry2x323A_570 : i32 to vector<64x128xi32>
      %threefry2x323A_576 = arith.addi %broadcast_in_dim3A_569, %threefry2x323A_575 : vector<64x128xi32>
      %threefry2x323A_577 = vector.broadcast %threefry2x323A_571 : i32 to vector<64x128xi32>
      %threefry2x323A_578 = arith.addi %add3A_567, %threefry2x323A_577 : vector<64x128xi32>
      %threefry2x323A_579 = arith.addi %threefry2x323A_576, %threefry2x323A_578 : vector<64x128xi32>
      %threefry2x323A_580 = arith.constant 13 : i32
      %threefry2x323A_581 = vector.broadcast %threefry2x323A_580 : i32 to vector<64x128xi32>
      %threefry2x323A_582 = arith.shli %threefry2x323A_578, %threefry2x323A_581 : vector<64x128xi32>
      %threefry2x323A_583 = arith.constant 19 : i32
      %threefry2x323A_584 = vector.broadcast %threefry2x323A_583 : i32 to vector<64x128xi32>
      %threefry2x323A_585 = arith.shrui %threefry2x323A_578, %threefry2x323A_584 : vector<64x128xi32>
      %threefry2x323A_586 = arith.ori %threefry2x323A_582, %threefry2x323A_585 : vector<64x128xi32>
      %threefry2x323A_587 = arith.xori %threefry2x323A_579, %threefry2x323A_586 : vector<64x128xi32>
      %threefry2x323A_588 = arith.addi %threefry2x323A_579, %threefry2x323A_587 : vector<64x128xi32>
      %threefry2x323A_589 = arith.constant 15 : i32
      %threefry2x323A_590 = vector.broadcast %threefry2x323A_589 : i32 to vector<64x128xi32>
      %threefry2x323A_591 = arith.shli %threefry2x323A_587, %threefry2x323A_590 : vector<64x128xi32>
      %threefry2x323A_592 = arith.constant 17 : i32
      %threefry2x323A_593 = vector.broadcast %threefry2x323A_592 : i32 to vector<64x128xi32>
      %threefry2x323A_594 = arith.shrui %threefry2x323A_587, %threefry2x323A_593 : vector<64x128xi32>
      %threefry2x323A_595 = arith.ori %threefry2x323A_591, %threefry2x323A_594 : vector<64x128xi32>
      %threefry2x323A_596 = arith.xori %threefry2x323A_588, %threefry2x323A_595 : vector<64x128xi32>
      %threefry2x323A_597 = arith.addi %threefry2x323A_588, %threefry2x323A_596 : vector<64x128xi32>
      %threefry2x323A_598 = arith.constant 26 : i32
      %threefry2x323A_599 = vector.broadcast %threefry2x323A_598 : i32 to vector<64x128xi32>
      %threefry2x323A_600 = arith.shli %threefry2x323A_596, %threefry2x323A_599 : vector<64x128xi32>
      %threefry2x323A_601 = arith.constant 6 : i32
      %threefry2x323A_602 = vector.broadcast %threefry2x323A_601 : i32 to vector<64x128xi32>
      %threefry2x323A_603 = arith.shrui %threefry2x323A_596, %threefry2x323A_602 : vector<64x128xi32>
      %threefry2x323A_604 = arith.ori %threefry2x323A_600, %threefry2x323A_603 : vector<64x128xi32>
      %threefry2x323A_605 = arith.xori %threefry2x323A_597, %threefry2x323A_604 : vector<64x128xi32>
      %threefry2x323A_606 = arith.addi %threefry2x323A_597, %threefry2x323A_605 : vector<64x128xi32>
      %threefry2x323A_607 = arith.constant 6 : i32
      %threefry2x323A_608 = vector.broadcast %threefry2x323A_607 : i32 to vector<64x128xi32>
      %threefry2x323A_609 = arith.shli %threefry2x323A_605, %threefry2x323A_608 : vector<64x128xi32>
      %threefry2x323A_610 = arith.constant 26 : i32
      %threefry2x323A_611 = vector.broadcast %threefry2x323A_610 : i32 to vector<64x128xi32>
      %threefry2x323A_612 = arith.shrui %threefry2x323A_605, %threefry2x323A_611 : vector<64x128xi32>
      %threefry2x323A_613 = arith.ori %threefry2x323A_609, %threefry2x323A_612 : vector<64x128xi32>
      %threefry2x323A_614 = arith.xori %threefry2x323A_606, %threefry2x323A_613 : vector<64x128xi32>
      %threefry2x323A_615 = vector.broadcast %threefry2x323A_571 : i32 to vector<64x128xi32>
      %threefry2x323A_616 = arith.addi %threefry2x323A_606, %threefry2x323A_615 : vector<64x128xi32>
      %threefry2x323A_617 = vector.broadcast %threefry2x323A_574 : i32 to vector<64x128xi32>
      %threefry2x323A_618 = arith.addi %threefry2x323A_614, %threefry2x323A_617 : vector<64x128xi32>
      %threefry2x323A_619 = arith.constant 1 : i32
      %threefry2x323A_620 = vector.broadcast %threefry2x323A_619 : i32 to vector<64x128xi32>
      %threefry2x323A_621 = arith.addi %threefry2x323A_618, %threefry2x323A_620 : vector<64x128xi32>
      %threefry2x323A_622 = arith.addi %threefry2x323A_616, %threefry2x323A_621 : vector<64x128xi32>
      %threefry2x323A_623 = arith.constant 17 : i32
      %threefry2x323A_624 = vector.broadcast %threefry2x323A_623 : i32 to vector<64x128xi32>
      %threefry2x323A_625 = arith.shli %threefry2x323A_621, %threefry2x323A_624 : vector<64x128xi32>
      %threefry2x323A_626 = arith.constant 15 : i32
      %threefry2x323A_627 = vector.broadcast %threefry2x323A_626 : i32 to vector<64x128xi32>
      %threefry2x323A_628 = arith.shrui %threefry2x323A_621, %threefry2x323A_627 : vector<64x128xi32>
      %threefry2x323A_629 = arith.ori %threefry2x323A_625, %threefry2x323A_628 : vector<64x128xi32>
      %threefry2x323A_630 = arith.xori %threefry2x323A_622, %threefry2x323A_629 : vector<64x128xi32>
      %threefry2x323A_631 = arith.addi %threefry2x323A_622, %threefry2x323A_630 : vector<64x128xi32>
      %threefry2x323A_632 = arith.constant 29 : i32
      %threefry2x323A_633 = vector.broadcast %threefry2x323A_632 : i32 to vector<64x128xi32>
      %threefry2x323A_634 = arith.shli %threefry2x323A_630, %threefry2x323A_633 : vector<64x128xi32>
      %threefry2x323A_635 = arith.constant 3 : i32
      %threefry2x323A_636 = vector.broadcast %threefry2x323A_635 : i32 to vector<64x128xi32>
      %threefry2x323A_637 = arith.shrui %threefry2x323A_630, %threefry2x323A_636 : vector<64x128xi32>
      %threefry2x323A_638 = arith.ori %threefry2x323A_634, %threefry2x323A_637 : vector<64x128xi32>
      %threefry2x323A_639 = arith.xori %threefry2x323A_631, %threefry2x323A_638 : vector<64x128xi32>
      %threefry2x323A_640 = arith.addi %threefry2x323A_631, %threefry2x323A_639 : vector<64x128xi32>
      %threefry2x323A_641 = arith.constant 16 : i32
      %threefry2x323A_642 = vector.broadcast %threefry2x323A_641 : i32 to vector<64x128xi32>
      %threefry2x323A_643 = arith.shli %threefry2x323A_639, %threefry2x323A_642 : vector<64x128xi32>
      %threefry2x323A_644 = arith.constant 16 : i32
      %threefry2x323A_645 = vector.broadcast %threefry2x323A_644 : i32 to vector<64x128xi32>
      %threefry2x323A_646 = arith.shrui %threefry2x323A_639, %threefry2x323A_645 : vector<64x128xi32>
      %threefry2x323A_647 = arith.ori %threefry2x323A_643, %threefry2x323A_646 : vector<64x128xi32>
      %threefry2x323A_648 = arith.xori %threefry2x323A_640, %threefry2x323A_647 : vector<64x128xi32>
      %threefry2x323A_649 = arith.addi %threefry2x323A_640, %threefry2x323A_648 : vector<64x128xi32>
      %threefry2x323A_650 = arith.constant 24 : i32
      %threefry2x323A_651 = vector.broadcast %threefry2x323A_650 : i32 to vector<64x128xi32>
      %threefry2x323A_652 = arith.shli %threefry2x323A_648, %threefry2x323A_651 : vector<64x128xi32>
      %threefry2x323A_653 = arith.constant 8 : i32
      %threefry2x323A_654 = vector.broadcast %threefry2x323A_653 : i32 to vector<64x128xi32>
      %threefry2x323A_655 = arith.shrui %threefry2x323A_648, %threefry2x323A_654 : vector<64x128xi32>
      %threefry2x323A_656 = arith.ori %threefry2x323A_652, %threefry2x323A_655 : vector<64x128xi32>
      %threefry2x323A_657 = arith.xori %threefry2x323A_649, %threefry2x323A_656 : vector<64x128xi32>
      %threefry2x323A_658 = vector.broadcast %threefry2x323A_574 : i32 to vector<64x128xi32>
      %threefry2x323A_659 = arith.addi %threefry2x323A_649, %threefry2x323A_658 : vector<64x128xi32>
      %threefry2x323A_660 = vector.broadcast %threefry2x323A_570 : i32 to vector<64x128xi32>
      %threefry2x323A_661 = arith.addi %threefry2x323A_657, %threefry2x323A_660 : vector<64x128xi32>
      %threefry2x323A_662 = arith.constant 2 : i32
      %threefry2x323A_663 = vector.broadcast %threefry2x323A_662 : i32 to vector<64x128xi32>
      %threefry2x323A_664 = arith.addi %threefry2x323A_661, %threefry2x323A_663 : vector<64x128xi32>
      %threefry2x323A_665 = arith.addi %threefry2x323A_659, %threefry2x323A_664 : vector<64x128xi32>
      %threefry2x323A_666 = arith.constant 13 : i32
      %threefry2x323A_667 = vector.broadcast %threefry2x323A_666 : i32 to vector<64x128xi32>
      %threefry2x323A_668 = arith.shli %threefry2x323A_664, %threefry2x323A_667 : vector<64x128xi32>
      %threefry2x323A_669 = arith.constant 19 : i32
      %threefry2x323A_670 = vector.broadcast %threefry2x323A_669 : i32 to vector<64x128xi32>
      %threefry2x323A_671 = arith.shrui %threefry2x323A_664, %threefry2x323A_670 : vector<64x128xi32>
      %threefry2x323A_672 = arith.ori %threefry2x323A_668, %threefry2x323A_671 : vector<64x128xi32>
      %threefry2x323A_673 = arith.xori %threefry2x323A_665, %threefry2x323A_672 : vector<64x128xi32>
      %threefry2x323A_674 = arith.addi %threefry2x323A_665, %threefry2x323A_673 : vector<64x128xi32>
      %threefry2x323A_675 = arith.constant 15 : i32
      %threefry2x323A_676 = vector.broadcast %threefry2x323A_675 : i32 to vector<64x128xi32>
      %threefry2x323A_677 = arith.shli %threefry2x323A_673, %threefry2x323A_676 : vector<64x128xi32>
      %threefry2x323A_678 = arith.constant 17 : i32
      %threefry2x323A_679 = vector.broadcast %threefry2x323A_678 : i32 to vector<64x128xi32>
      %threefry2x323A_680 = arith.shrui %threefry2x323A_673, %threefry2x323A_679 : vector<64x128xi32>
      %threefry2x323A_681 = arith.ori %threefry2x323A_677, %threefry2x323A_680 : vector<64x128xi32>
      %threefry2x323A_682 = arith.xori %threefry2x323A_674, %threefry2x323A_681 : vector<64x128xi32>
      %threefry2x323A_683 = arith.addi %threefry2x323A_674, %threefry2x323A_682 : vector<64x128xi32>
      %threefry2x323A_684 = arith.constant 26 : i32
      %threefry2x323A_685 = vector.broadcast %threefry2x323A_684 : i32 to vector<64x128xi32>
      %threefry2x323A_686 = arith.shli %threefry2x323A_682, %threefry2x323A_685 : vector<64x128xi32>
      %threefry2x323A_687 = arith.constant 6 : i32
      %threefry2x323A_688 = vector.broadcast %threefry2x323A_687 : i32 to vector<64x128xi32>
      %threefry2x323A_689 = arith.shrui %threefry2x323A_682, %threefry2x323A_688 : vector<64x128xi32>
      %threefry2x323A_690 = arith.ori %threefry2x323A_686, %threefry2x323A_689 : vector<64x128xi32>
      %threefry2x323A_691 = arith.xori %threefry2x323A_683, %threefry2x323A_690 : vector<64x128xi32>
      %threefry2x323A_692 = arith.addi %threefry2x323A_683, %threefry2x323A_691 : vector<64x128xi32>
      %threefry2x323A_693 = arith.constant 6 : i32
      %threefry2x323A_694 = vector.broadcast %threefry2x323A_693 : i32 to vector<64x128xi32>
      %threefry2x323A_695 = arith.shli %threefry2x323A_691, %threefry2x323A_694 : vector<64x128xi32>
      %threefry2x323A_696 = arith.constant 26 : i32
      %threefry2x323A_697 = vector.broadcast %threefry2x323A_696 : i32 to vector<64x128xi32>
      %threefry2x323A_698 = arith.shrui %threefry2x323A_691, %threefry2x323A_697 : vector<64x128xi32>
      %threefry2x323A_699 = arith.ori %threefry2x323A_695, %threefry2x323A_698 : vector<64x128xi32>
      %threefry2x323A_700 = arith.xori %threefry2x323A_692, %threefry2x323A_699 : vector<64x128xi32>
      %threefry2x323A_701 = vector.broadcast %threefry2x323A_570 : i32 to vector<64x128xi32>
      %threefry2x323A_702 = arith.addi %threefry2x323A_692, %threefry2x323A_701 : vector<64x128xi32>
      %threefry2x323A_703 = vector.broadcast %threefry2x323A_571 : i32 to vector<64x128xi32>
      %threefry2x323A_704 = arith.addi %threefry2x323A_700, %threefry2x323A_703 : vector<64x128xi32>
      %threefry2x323A_705 = arith.constant 3 : i32
      %threefry2x323A_706 = vector.broadcast %threefry2x323A_705 : i32 to vector<64x128xi32>
      %threefry2x323A_707 = arith.addi %threefry2x323A_704, %threefry2x323A_706 : vector<64x128xi32>
      %threefry2x323A_708 = arith.addi %threefry2x323A_702, %threefry2x323A_707 : vector<64x128xi32>
      %threefry2x323A_709 = arith.constant 17 : i32
      %threefry2x323A_710 = vector.broadcast %threefry2x323A_709 : i32 to vector<64x128xi32>
      %threefry2x323A_711 = arith.shli %threefry2x323A_707, %threefry2x323A_710 : vector<64x128xi32>
      %threefry2x323A_712 = arith.constant 15 : i32
      %threefry2x323A_713 = vector.broadcast %threefry2x323A_712 : i32 to vector<64x128xi32>
      %threefry2x323A_714 = arith.shrui %threefry2x323A_707, %threefry2x323A_713 : vector<64x128xi32>
      %threefry2x323A_715 = arith.ori %threefry2x323A_711, %threefry2x323A_714 : vector<64x128xi32>
      %threefry2x323A_716 = arith.xori %threefry2x323A_708, %threefry2x323A_715 : vector<64x128xi32>
      %threefry2x323A_717 = arith.addi %threefry2x323A_708, %threefry2x323A_716 : vector<64x128xi32>
      %threefry2x323A_718 = arith.constant 29 : i32
      %threefry2x323A_719 = vector.broadcast %threefry2x323A_718 : i32 to vector<64x128xi32>
      %threefry2x323A_720 = arith.shli %threefry2x323A_716, %threefry2x323A_719 : vector<64x128xi32>
      %threefry2x323A_721 = arith.constant 3 : i32
      %threefry2x323A_722 = vector.broadcast %threefry2x323A_721 : i32 to vector<64x128xi32>
      %threefry2x323A_723 = arith.shrui %threefry2x323A_716, %threefry2x323A_722 : vector<64x128xi32>
      %threefry2x323A_724 = arith.ori %threefry2x323A_720, %threefry2x323A_723 : vector<64x128xi32>
      %threefry2x323A_725 = arith.xori %threefry2x323A_717, %threefry2x323A_724 : vector<64x128xi32>
      %threefry2x323A_726 = arith.addi %threefry2x323A_717, %threefry2x323A_725 : vector<64x128xi32>
      %threefry2x323A_727 = arith.constant 16 : i32
      %threefry2x323A_728 = vector.broadcast %threefry2x323A_727 : i32 to vector<64x128xi32>
      %threefry2x323A_729 = arith.shli %threefry2x323A_725, %threefry2x323A_728 : vector<64x128xi32>
      %threefry2x323A_730 = arith.constant 16 : i32
      %threefry2x323A_731 = vector.broadcast %threefry2x323A_730 : i32 to vector<64x128xi32>
      %threefry2x323A_732 = arith.shrui %threefry2x323A_725, %threefry2x323A_731 : vector<64x128xi32>
      %threefry2x323A_733 = arith.ori %threefry2x323A_729, %threefry2x323A_732 : vector<64x128xi32>
      %threefry2x323A_734 = arith.xori %threefry2x323A_726, %threefry2x323A_733 : vector<64x128xi32>
      %threefry2x323A_735 = arith.addi %threefry2x323A_726, %threefry2x323A_734 : vector<64x128xi32>
      %threefry2x323A_736 = arith.constant 24 : i32
      %threefry2x323A_737 = vector.broadcast %threefry2x323A_736 : i32 to vector<64x128xi32>
      %threefry2x323A_738 = arith.shli %threefry2x323A_734, %threefry2x323A_737 : vector<64x128xi32>
      %threefry2x323A_739 = arith.constant 8 : i32
      %threefry2x323A_740 = vector.broadcast %threefry2x323A_739 : i32 to vector<64x128xi32>
      %threefry2x323A_741 = arith.shrui %threefry2x323A_734, %threefry2x323A_740 : vector<64x128xi32>
      %threefry2x323A_742 = arith.ori %threefry2x323A_738, %threefry2x323A_741 : vector<64x128xi32>
      %threefry2x323A_743 = arith.xori %threefry2x323A_735, %threefry2x323A_742 : vector<64x128xi32>
      %threefry2x323A_744 = vector.broadcast %threefry2x323A_571 : i32 to vector<64x128xi32>
      %threefry2x323A_745 = arith.addi %threefry2x323A_735, %threefry2x323A_744 : vector<64x128xi32>
      %threefry2x323A_746 = vector.broadcast %threefry2x323A_574 : i32 to vector<64x128xi32>
      %threefry2x323A_747 = arith.addi %threefry2x323A_743, %threefry2x323A_746 : vector<64x128xi32>
      %threefry2x323A_748 = arith.constant 4 : i32
      %threefry2x323A_749 = vector.broadcast %threefry2x323A_748 : i32 to vector<64x128xi32>
      %threefry2x323A_750 = arith.addi %threefry2x323A_747, %threefry2x323A_749 : vector<64x128xi32>
      %threefry2x323A_751 = arith.addi %threefry2x323A_745, %threefry2x323A_750 : vector<64x128xi32>
      %threefry2x323A_752 = arith.constant 13 : i32
      %threefry2x323A_753 = vector.broadcast %threefry2x323A_752 : i32 to vector<64x128xi32>
      %threefry2x323A_754 = arith.shli %threefry2x323A_750, %threefry2x323A_753 : vector<64x128xi32>
      %threefry2x323A_755 = arith.constant 19 : i32
      %threefry2x323A_756 = vector.broadcast %threefry2x323A_755 : i32 to vector<64x128xi32>
      %threefry2x323A_757 = arith.shrui %threefry2x323A_750, %threefry2x323A_756 : vector<64x128xi32>
      %threefry2x323A_758 = arith.ori %threefry2x323A_754, %threefry2x323A_757 : vector<64x128xi32>
      %threefry2x323A_759 = arith.xori %threefry2x323A_751, %threefry2x323A_758 : vector<64x128xi32>
      %threefry2x323A_760 = arith.addi %threefry2x323A_751, %threefry2x323A_759 : vector<64x128xi32>
      %threefry2x323A_761 = arith.constant 15 : i32
      %threefry2x323A_762 = vector.broadcast %threefry2x323A_761 : i32 to vector<64x128xi32>
      %threefry2x323A_763 = arith.shli %threefry2x323A_759, %threefry2x323A_762 : vector<64x128xi32>
      %threefry2x323A_764 = arith.constant 17 : i32
      %threefry2x323A_765 = vector.broadcast %threefry2x323A_764 : i32 to vector<64x128xi32>
      %threefry2x323A_766 = arith.shrui %threefry2x323A_759, %threefry2x323A_765 : vector<64x128xi32>
      %threefry2x323A_767 = arith.ori %threefry2x323A_763, %threefry2x323A_766 : vector<64x128xi32>
      %threefry2x323A_768 = arith.xori %threefry2x323A_760, %threefry2x323A_767 : vector<64x128xi32>
      %threefry2x323A_769 = arith.addi %threefry2x323A_760, %threefry2x323A_768 : vector<64x128xi32>
      %threefry2x323A_770 = arith.constant 26 : i32
      %threefry2x323A_771 = vector.broadcast %threefry2x323A_770 : i32 to vector<64x128xi32>
      %threefry2x323A_772 = arith.shli %threefry2x323A_768, %threefry2x323A_771 : vector<64x128xi32>
      %threefry2x323A_773 = arith.constant 6 : i32
      %threefry2x323A_774 = vector.broadcast %threefry2x323A_773 : i32 to vector<64x128xi32>
      %threefry2x323A_775 = arith.shrui %threefry2x323A_768, %threefry2x323A_774 : vector<64x128xi32>
      %threefry2x323A_776 = arith.ori %threefry2x323A_772, %threefry2x323A_775 : vector<64x128xi32>
      %threefry2x323A_777 = arith.xori %threefry2x323A_769, %threefry2x323A_776 : vector<64x128xi32>
      %threefry2x323A_778 = arith.addi %threefry2x323A_769, %threefry2x323A_777 : vector<64x128xi32>
      %threefry2x323A_779 = arith.constant 6 : i32
      %threefry2x323A_780 = vector.broadcast %threefry2x323A_779 : i32 to vector<64x128xi32>
      %threefry2x323A_781 = arith.shli %threefry2x323A_777, %threefry2x323A_780 : vector<64x128xi32>
      %threefry2x323A_782 = arith.constant 26 : i32
      %threefry2x323A_783 = vector.broadcast %threefry2x323A_782 : i32 to vector<64x128xi32>
      %threefry2x323A_784 = arith.shrui %threefry2x323A_777, %threefry2x323A_783 : vector<64x128xi32>
      %threefry2x323A_785 = arith.ori %threefry2x323A_781, %threefry2x323A_784 : vector<64x128xi32>
      %threefry2x323A_786 = arith.xori %threefry2x323A_778, %threefry2x323A_785 : vector<64x128xi32>
      %threefry2x323A_787 = vector.broadcast %threefry2x323A_574 : i32 to vector<64x128xi32>
      %threefry2x323A_788 = arith.addi %threefry2x323A_778, %threefry2x323A_787 : vector<64x128xi32>
      %threefry2x323A_789 = vector.broadcast %threefry2x323A_570 : i32 to vector<64x128xi32>
      %threefry2x323A_790 = arith.addi %threefry2x323A_786, %threefry2x323A_789 : vector<64x128xi32>
      %threefry2x323A_791 = arith.constant 5 : i32
      %threefry2x323A_792 = vector.broadcast %threefry2x323A_791 : i32 to vector<64x128xi32>
      %threefry2x323A_793 = arith.addi %threefry2x323A_790, %threefry2x323A_792 : vector<64x128xi32>
      "tpu.trace_stop"() : () -> ()
      %xor3A_794 = arith.xori %threefry2x323A_788, %threefry2x323A_793 : vector<64x128xi32>
      %shift_right_logical3A_795 = arith.constant 9 : i32
      %shift_right_logical3A_796 = vector.broadcast %shift_right_logical3A_795 : i32 to vector<64x128xi32>
      %shift_right_logical3A_797 = arith.shrui %xor3A_794, %shift_right_logical3A_796 : vector<64x128xi32>
      %or3A_798 = arith.constant 1065353216 : i32
      %or3A_799 = vector.broadcast %or3A_798 : i32 to vector<64x128xi32>
      %or3A_800 = arith.ori %shift_right_logical3A_797, %or3A_799 : vector<64x128xi32>
      %bitcast_convert_type3A_801 = tpu.bitcast %or3A_800 : vector<64x128xi32> -> vector<64x128xf32>
      %sub3A_802 = arith.constant 1.000000e+00 : f32
      %sub3A_803 = vector.broadcast %sub3A_802 : f32 to vector<64x128xf32>
      %sub3A_804 = arith.subf %bitcast_convert_type3A_801, %sub3A_803 : vector<64x128xf32>
      %mul3A_805 = arith.constant 1.000000e+00 : f32
      %mul3A_806 = vector.broadcast %mul3A_805 : f32 to vector<64x128xf32>
      %mul3A_807 = arith.mulf %sub3A_804, %mul3A_806 : vector<64x128xf32>
      %add3A_808 = arith.constant 1.17549435E-38 : f32
      %add3A_809 = vector.broadcast %add3A_808 : f32 to vector<64x128xf32>
      %add3A_810 = arith.addf %mul3A_807, %add3A_809 : vector<64x128xf32>
      %max3A_811 = arith.constant 1.17549435E-38 : f32
      %max3A_812 = vector.broadcast %max3A_811 : f32 to vector<64x128xf32>
      %max3A_813 = arith.maximumf %max3A_812, %add3A_810 : vector<64x128xf32>
      %mul3A_814 = arith.constant 128 : i32
      %mul3A_815 = arith.muli %scan3A_563, %mul3A_814 : i32
      %get3A_816 = arith.constant 0 : index
      %get3A_817 = arith.index_cast %mul3A_815 : i32 to index
      %get3A_818 = vector.load %arg3[%get3A_816, %get3A_817] : memref<64x8192xf32, #tpu.memory_space<vmem>>, vector<64x128xf32>
      %log3A_819 = math.log %max3A_813 : vector<64x128xf32>
      %neg3A_820 = arith.constant 0.000000e+00 : f32
      %neg3A_821 = vector.broadcast %neg3A_820 : f32 to vector<64x128xf32>
      %neg3A_822 = arith.subf %neg3A_821, %log3A_819 : vector<64x128xf32>
      %log3A_823 = math.log %neg3A_822 : vector<64x128xf32>
      %neg3A_824 = arith.constant 0.000000e+00 : f32
      %neg3A_825 = vector.broadcast %neg3A_824 : f32 to vector<64x128xf32>
      %neg3A_826 = arith.subf %neg3A_825, %log3A_823 : vector<64x128xf32>
      %add3A_827 = arith.addf %neg3A_826, %get3A_818 : vector<64x128xf32>
      %gt3A_828 = arith.cmpf ogt, %add3A_827, %select_n3A_561 : vector<64x128xf32>
      %mul3A_829 = arith.constant 128 : i32
      %mul3A_830 = arith.muli %scan3A_563, %mul3A_829 : i32
      %add3A_831 = vector.broadcast %mul3A_830 : i32 to vector<64x128xi32>
      %add3A_832 = arith.addi %add3A_831, %iota3A_2 : vector<64x128xi32>
      %select_n3A_833 = arith.select %gt3A_828, %add3A_832, %select_n3A_560 : vector<64x128xi1>, vector<64x128xi32>
      %select_n3A_834 = arith.select %gt3A_828, %add3A_827, %select_n3A_561 : vector<64x128xi1>, vector<64x128xf32>
      %scan3A_835 = arith.constant 3 : i32
      %scan3A_836 = arith.addi %scan3A_26, %scan3A_835 : i32
      %mul3A_837 = arith.constant 128 : i32
      %mul3A_838 = arith.muli %scan3A_836, %mul3A_837 : i32
      %add3A_839 = vector.broadcast %mul3A_838 : i32 to vector<64x128xi32>
      %add3A_840 = arith.addi %add3A_8, %add3A_839 : vector<64x128xi32>
      %broadcast_in_dim3A_841 = arith.constant 0 : i32
      %broadcast_in_dim3A_842 = vector.broadcast %broadcast_in_dim3A_841 : i32 to vector<64x128xi32>
      %threefry2x323A_843 = arith.constant 0 : i32
      %threefry2x323A_844 = arith.constant 2 : i32
      "tpu.trace_start"() <{level = 10 : i32, message = "threefry2x32"}> : () -> ()
      %threefry2x323A_845 = arith.xori %threefry2x323A_843, %threefry2x323A_844 : i32
      %threefry2x323A_846 = arith.constant 466688986 : i32
      %threefry2x323A_847 = arith.xori %threefry2x323A_845, %threefry2x323A_846 : i32
      %threefry2x323A_848 = vector.broadcast %threefry2x323A_843 : i32 to vector<64x128xi32>
      %threefry2x323A_849 = arith.addi %broadcast_in_dim3A_842, %threefry2x323A_848 : vector<64x128xi32>
      %threefry2x323A_850 = vector.broadcast %threefry2x323A_844 : i32 to vector<64x128xi32>
      %threefry2x323A_851 = arith.addi %add3A_840, %threefry2x323A_850 : vector<64x128xi32>
      %threefry2x323A_852 = arith.addi %threefry2x323A_849, %threefry2x323A_851 : vector<64x128xi32>
      %threefry2x323A_853 = arith.constant 13 : i32
      %threefry2x323A_854 = vector.broadcast %threefry2x323A_853 : i32 to vector<64x128xi32>
      %threefry2x323A_855 = arith.shli %threefry2x323A_851, %threefry2x323A_854 : vector<64x128xi32>
      %threefry2x323A_856 = arith.constant 19 : i32
      %threefry2x323A_857 = vector.broadcast %threefry2x323A_856 : i32 to vector<64x128xi32>
      %threefry2x323A_858 = arith.shrui %threefry2x323A_851, %threefry2x323A_857 : vector<64x128xi32>
      %threefry2x323A_859 = arith.ori %threefry2x323A_855, %threefry2x323A_858 : vector<64x128xi32>
      %threefry2x323A_860 = arith.xori %threefry2x323A_852, %threefry2x323A_859 : vector<64x128xi32>
      %threefry2x323A_861 = arith.addi %threefry2x323A_852, %threefry2x323A_860 : vector<64x128xi32>
      %threefry2x323A_862 = arith.constant 15 : i32
      %threefry2x323A_863 = vector.broadcast %threefry2x323A_862 : i32 to vector<64x128xi32>
      %threefry2x323A_864 = arith.shli %threefry2x323A_860, %threefry2x323A_863 : vector<64x128xi32>
      %threefry2x323A_865 = arith.constant 17 : i32
      %threefry2x323A_866 = vector.broadcast %threefry2x323A_865 : i32 to vector<64x128xi32>
      %threefry2x323A_867 = arith.shrui %threefry2x323A_860, %threefry2x323A_866 : vector<64x128xi32>
      %threefry2x323A_868 = arith.ori %threefry2x323A_864, %threefry2x323A_867 : vector<64x128xi32>
      %threefry2x323A_869 = arith.xori %threefry2x323A_861, %threefry2x323A_868 : vector<64x128xi32>
      %threefry2x323A_870 = arith.addi %threefry2x323A_861, %threefry2x323A_869 : vector<64x128xi32>
      %threefry2x323A_871 = arith.constant 26 : i32
      %threefry2x323A_872 = vector.broadcast %threefry2x323A_871 : i32 to vector<64x128xi32>
      %threefry2x323A_873 = arith.shli %threefry2x323A_869, %threefry2x323A_872 : vector<64x128xi32>
      %threefry2x323A_874 = arith.constant 6 : i32
      %threefry2x323A_875 = vector.broadcast %threefry2x323A_874 : i32 to vector<64x128xi32>
      %threefry2x323A_876 = arith.shrui %threefry2x323A_869, %threefry2x323A_875 : vector<64x128xi32>
      %threefry2x323A_877 = arith.ori %threefry2x323A_873, %threefry2x323A_876 : vector<64x128xi32>
      %threefry2x323A_878 = arith.xori %threefry2x323A_870, %threefry2x323A_877 : vector<64x128xi32>
      %threefry2x323A_879 = arith.addi %threefry2x323A_870, %threefry2x323A_878 : vector<64x128xi32>
      %threefry2x323A_880 = arith.constant 6 : i32
      %threefry2x323A_881 = vector.broadcast %threefry2x323A_880 : i32 to vector<64x128xi32>
      %threefry2x323A_882 = arith.shli %threefry2x323A_878, %threefry2x323A_881 : vector<64x128xi32>
      %threefry2x323A_883 = arith.constant 26 : i32
      %threefry2x323A_884 = vector.broadcast %threefry2x323A_883 : i32 to vector<64x128xi32>
      %threefry2x323A_885 = arith.shrui %threefry2x323A_878, %threefry2x323A_884 : vector<64x128xi32>
      %threefry2x323A_886 = arith.ori %threefry2x323A_882, %threefry2x323A_885 : vector<64x128xi32>
      %threefry2x323A_887 = arith.xori %threefry2x323A_879, %threefry2x323A_886 : vector<64x128xi32>
      %threefry2x323A_888 = vector.broadcast %threefry2x323A_844 : i32 to vector<64x128xi32>
      %threefry2x323A_889 = arith.addi %threefry2x323A_879, %threefry2x323A_888 : vector<64x128xi32>
      %threefry2x323A_890 = vector.broadcast %threefry2x323A_847 : i32 to vector<64x128xi32>
      %threefry2x323A_891 = arith.addi %threefry2x323A_887, %threefry2x323A_890 : vector<64x128xi32>
      %threefry2x323A_892 = arith.constant 1 : i32
      %threefry2x323A_893 = vector.broadcast %threefry2x323A_892 : i32 to vector<64x128xi32>
      %threefry2x323A_894 = arith.addi %threefry2x323A_891, %threefry2x323A_893 : vector<64x128xi32>
      %threefry2x323A_895 = arith.addi %threefry2x323A_889, %threefry2x323A_894 : vector<64x128xi32>
      %threefry2x323A_896 = arith.constant 17 : i32
      %threefry2x323A_897 = vector.broadcast %threefry2x323A_896 : i32 to vector<64x128xi32>
      %threefry2x323A_898 = arith.shli %threefry2x323A_894, %threefry2x323A_897 : vector<64x128xi32>
      %threefry2x323A_899 = arith.constant 15 : i32
      %threefry2x323A_900 = vector.broadcast %threefry2x323A_899 : i32 to vector<64x128xi32>
      %threefry2x323A_901 = arith.shrui %threefry2x323A_894, %threefry2x323A_900 : vector<64x128xi32>
      %threefry2x323A_902 = arith.ori %threefry2x323A_898, %threefry2x323A_901 : vector<64x128xi32>
      %threefry2x323A_903 = arith.xori %threefry2x323A_895, %threefry2x323A_902 : vector<64x128xi32>
      %threefry2x323A_904 = arith.addi %threefry2x323A_895, %threefry2x323A_903 : vector<64x128xi32>
      %threefry2x323A_905 = arith.constant 29 : i32
      %threefry2x323A_906 = vector.broadcast %threefry2x323A_905 : i32 to vector<64x128xi32>
      %threefry2x323A_907 = arith.shli %threefry2x323A_903, %threefry2x323A_906 : vector<64x128xi32>
      %threefry2x323A_908 = arith.constant 3 : i32
      %threefry2x323A_909 = vector.broadcast %threefry2x323A_908 : i32 to vector<64x128xi32>
      %threefry2x323A_910 = arith.shrui %threefry2x323A_903, %threefry2x323A_909 : vector<64x128xi32>
      %threefry2x323A_911 = arith.ori %threefry2x323A_907, %threefry2x323A_910 : vector<64x128xi32>
      %threefry2x323A_912 = arith.xori %threefry2x323A_904, %threefry2x323A_911 : vector<64x128xi32>
      %threefry2x323A_913 = arith.addi %threefry2x323A_904, %threefry2x323A_912 : vector<64x128xi32>
      %threefry2x323A_914 = arith.constant 16 : i32
      %threefry2x323A_915 = vector.broadcast %threefry2x323A_914 : i32 to vector<64x128xi32>
      %threefry2x323A_916 = arith.shli %threefry2x323A_912, %threefry2x323A_915 : vector<64x128xi32>
      %threefry2x323A_917 = arith.constant 16 : i32
      %threefry2x323A_918 = vector.broadcast %threefry2x323A_917 : i32 to vector<64x128xi32>
      %threefry2x323A_919 = arith.shrui %threefry2x323A_912, %threefry2x323A_918 : vector<64x128xi32>
      %threefry2x323A_920 = arith.ori %threefry2x323A_916, %threefry2x323A_919 : vector<64x128xi32>
      %threefry2x323A_921 = arith.xori %threefry2x323A_913, %threefry2x323A_920 : vector<64x128xi32>
      %threefry2x323A_922 = arith.addi %threefry2x323A_913, %threefry2x323A_921 : vector<64x128xi32>
      %threefry2x323A_923 = arith.constant 24 : i32
      %threefry2x323A_924 = vector.broadcast %threefry2x323A_923 : i32 to vector<64x128xi32>
      %threefry2x323A_925 = arith.shli %threefry2x323A_921, %threefry2x323A_924 : vector<64x128xi32>
      %threefry2x323A_926 = arith.constant 8 : i32
      %threefry2x323A_927 = vector.broadcast %threefry2x323A_926 : i32 to vector<64x128xi32>
      %threefry2x323A_928 = arith.shrui %threefry2x323A_921, %threefry2x323A_927 : vector<64x128xi32>
      %threefry2x323A_929 = arith.ori %threefry2x323A_925, %threefry2x323A_928 : vector<64x128xi32>
      %threefry2x323A_930 = arith.xori %threefry2x323A_922, %threefry2x323A_929 : vector<64x128xi32>
      %threefry2x323A_931 = vector.broadcast %threefry2x323A_847 : i32 to vector<64x128xi32>
      %threefry2x323A_932 = arith.addi %threefry2x323A_922, %threefry2x323A_931 : vector<64x128xi32>
      %threefry2x323A_933 = vector.broadcast %threefry2x323A_843 : i32 to vector<64x128xi32>
      %threefry2x323A_934 = arith.addi %threefry2x323A_930, %threefry2x323A_933 : vector<64x128xi32>
      %threefry2x323A_935 = arith.constant 2 : i32
      %threefry2x323A_936 = vector.broadcast %threefry2x323A_935 : i32 to vector<64x128xi32>
      %threefry2x323A_937 = arith.addi %threefry2x323A_934, %threefry2x323A_936 : vector<64x128xi32>
      %threefry2x323A_938 = arith.addi %threefry2x323A_932, %threefry2x323A_937 : vector<64x128xi32>
      %threefry2x323A_939 = arith.constant 13 : i32
      %threefry2x323A_940 = vector.broadcast %threefry2x323A_939 : i32 to vector<64x128xi32>
      %threefry2x323A_941 = arith.shli %threefry2x323A_937, %threefry2x323A_940 : vector<64x128xi32>
      %threefry2x323A_942 = arith.constant 19 : i32
      %threefry2x323A_943 = vector.broadcast %threefry2x323A_942 : i32 to vector<64x128xi32>
      %threefry2x323A_944 = arith.shrui %threefry2x323A_937, %threefry2x323A_943 : vector<64x128xi32>
      %threefry2x323A_945 = arith.ori %threefry2x323A_941, %threefry2x323A_944 : vector<64x128xi32>
      %threefry2x323A_946 = arith.xori %threefry2x323A_938, %threefry2x323A_945 : vector<64x128xi32>
      %threefry2x323A_947 = arith.addi %threefry2x323A_938, %threefry2x323A_946 : vector<64x128xi32>
      %threefry2x323A_948 = arith.constant 15 : i32
      %threefry2x323A_949 = vector.broadcast %threefry2x323A_948 : i32 to vector<64x128xi32>
      %threefry2x323A_950 = arith.shli %threefry2x323A_946, %threefry2x323A_949 : vector<64x128xi32>
      %threefry2x323A_951 = arith.constant 17 : i32
      %threefry2x323A_952 = vector.broadcast %threefry2x323A_951 : i32 to vector<64x128xi32>
      %threefry2x323A_953 = arith.shrui %threefry2x323A_946, %threefry2x323A_952 : vector<64x128xi32>
      %threefry2x323A_954 = arith.ori %threefry2x323A_950, %threefry2x323A_953 : vector<64x128xi32>
      %threefry2x323A_955 = arith.xori %threefry2x323A_947, %threefry2x323A_954 : vector<64x128xi32>
      %threefry2x323A_956 = arith.addi %threefry2x323A_947, %threefry2x323A_955 : vector<64x128xi32>
      %threefry2x323A_957 = arith.constant 26 : i32
      %threefry2x323A_958 = vector.broadcast %threefry2x323A_957 : i32 to vector<64x128xi32>
      %threefry2x323A_959 = arith.shli %threefry2x323A_955, %threefry2x323A_958 : vector<64x128xi32>
      %threefry2x323A_960 = arith.constant 6 : i32
      %threefry2x323A_961 = vector.broadcast %threefry2x323A_960 : i32 to vector<64x128xi32>
      %threefry2x323A_962 = arith.shrui %threefry2x323A_955, %threefry2x323A_961 : vector<64x128xi32>
      %threefry2x323A_963 = arith.ori %threefry2x323A_959, %threefry2x323A_962 : vector<64x128xi32>
      %threefry2x323A_964 = arith.xori %threefry2x323A_956, %threefry2x323A_963 : vector<64x128xi32>
      %threefry2x323A_965 = arith.addi %threefry2x323A_956, %threefry2x323A_964 : vector<64x128xi32>
      %threefry2x323A_966 = arith.constant 6 : i32
      %threefry2x323A_967 = vector.broadcast %threefry2x323A_966 : i32 to vector<64x128xi32>
      %threefry2x323A_968 = arith.shli %threefry2x323A_964, %threefry2x323A_967 : vector<64x128xi32>
      %threefry2x323A_969 = arith.constant 26 : i32
      %threefry2x323A_970 = vector.broadcast %threefry2x323A_969 : i32 to vector<64x128xi32>
      %threefry2x323A_971 = arith.shrui %threefry2x323A_964, %threefry2x323A_970 : vector<64x128xi32>
      %threefry2x323A_972 = arith.ori %threefry2x323A_968, %threefry2x323A_971 : vector<64x128xi32>
      %threefry2x323A_973 = arith.xori %threefry2x323A_965, %threefry2x323A_972 : vector<64x128xi32>
      %threefry2x323A_974 = vector.broadcast %threefry2x323A_843 : i32 to vector<64x128xi32>
      %threefry2x323A_975 = arith.addi %threefry2x323A_965, %threefry2x323A_974 : vector<64x128xi32>
      %threefry2x323A_976 = vector.broadcast %threefry2x323A_844 : i32 to vector<64x128xi32>
      %threefry2x323A_977 = arith.addi %threefry2x323A_973, %threefry2x323A_976 : vector<64x128xi32>
      %threefry2x323A_978 = arith.constant 3 : i32
      %threefry2x323A_979 = vector.broadcast %threefry2x323A_978 : i32 to vector<64x128xi32>
      %threefry2x323A_980 = arith.addi %threefry2x323A_977, %threefry2x323A_979 : vector<64x128xi32>
      %threefry2x323A_981 = arith.addi %threefry2x323A_975, %threefry2x323A_980 : vector<64x128xi32>
      %threefry2x323A_982 = arith.constant 17 : i32
      %threefry2x323A_983 = vector.broadcast %threefry2x323A_982 : i32 to vector<64x128xi32>
      %threefry2x323A_984 = arith.shli %threefry2x323A_980, %threefry2x323A_983 : vector<64x128xi32>
      %threefry2x323A_985 = arith.constant 15 : i32
      %threefry2x323A_986 = vector.broadcast %threefry2x323A_985 : i32 to vector<64x128xi32>
      %threefry2x323A_987 = arith.shrui %threefry2x323A_980, %threefry2x323A_986 : vector<64x128xi32>
      %threefry2x323A_988 = arith.ori %threefry2x323A_984, %threefry2x323A_987 : vector<64x128xi32>
      %threefry2x323A_989 = arith.xori %threefry2x323A_981, %threefry2x323A_988 : vector<64x128xi32>
      %threefry2x323A_990 = arith.addi %threefry2x323A_981, %threefry2x323A_989 : vector<64x128xi32>
      %threefry2x323A_991 = arith.constant 29 : i32
      %threefry2x323A_992 = vector.broadcast %threefry2x323A_991 : i32 to vector<64x128xi32>
      %threefry2x323A_993 = arith.shli %threefry2x323A_989, %threefry2x323A_992 : vector<64x128xi32>
      %threefry2x323A_994 = arith.constant 3 : i32
      %threefry2x323A_995 = vector.broadcast %threefry2x323A_994 : i32 to vector<64x128xi32>
      %threefry2x323A_996 = arith.shrui %threefry2x323A_989, %threefry2x323A_995 : vector<64x128xi32>
      %threefry2x323A_997 = arith.ori %threefry2x323A_993, %threefry2x323A_996 : vector<64x128xi32>
      %threefry2x323A_998 = arith.xori %threefry2x323A_990, %threefry2x323A_997 : vector<64x128xi32>
      %threefry2x323A_999 = arith.addi %threefry2x323A_990, %threefry2x323A_998 : vector<64x128xi32>
      %threefry2x323A_1000 = arith.constant 16 : i32
      %threefry2x323A_1001 = vector.broadcast %threefry2x323A_1000 : i32 to vector<64x128xi32>
      %threefry2x323A_1002 = arith.shli %threefry2x323A_998, %threefry2x323A_1001 : vector<64x128xi32>
      %threefry2x323A_1003 = arith.constant 16 : i32
      %threefry2x323A_1004 = vector.broadcast %threefry2x323A_1003 : i32 to vector<64x128xi32>
      %threefry2x323A_1005 = arith.shrui %threefry2x323A_998, %threefry2x323A_1004 : vector<64x128xi32>
      %threefry2x323A_1006 = arith.ori %threefry2x323A_1002, %threefry2x323A_1005 : vector<64x128xi32>
      %threefry2x323A_1007 = arith.xori %threefry2x323A_999, %threefry2x323A_1006 : vector<64x128xi32>
      %threefry2x323A_1008 = arith.addi %threefry2x323A_999, %threefry2x323A_1007 : vector<64x128xi32>
      %threefry2x323A_1009 = arith.constant 24 : i32
      %threefry2x323A_1010 = vector.broadcast %threefry2x323A_1009 : i32 to vector<64x128xi32>
      %threefry2x323A_1011 = arith.shli %threefry2x323A_1007, %threefry2x323A_1010 : vector<64x128xi32>
      %threefry2x323A_1012 = arith.constant 8 : i32
      %threefry2x323A_1013 = vector.broadcast %threefry2x323A_1012 : i32 to vector<64x128xi32>
      %threefry2x323A_1014 = arith.shrui %threefry2x323A_1007, %threefry2x323A_1013 : vector<64x128xi32>
      %threefry2x323A_1015 = arith.ori %threefry2x323A_1011, %threefry2x323A_1014 : vector<64x128xi32>
      %threefry2x323A_1016 = arith.xori %threefry2x323A_1008, %threefry2x323A_1015 : vector<64x128xi32>
      %threefry2x323A_1017 = vector.broadcast %threefry2x323A_844 : i32 to vector<64x128xi32>
      %threefry2x323A_1018 = arith.addi %threefry2x323A_1008, %threefry2x323A_1017 : vector<64x128xi32>
      %threefry2x323A_1019 = vector.broadcast %threefry2x323A_847 : i32 to vector<64x128xi32>
      %threefry2x323A_1020 = arith.addi %threefry2x323A_1016, %threefry2x323A_1019 : vector<64x128xi32>
      %threefry2x323A_1021 = arith.constant 4 : i32
      %threefry2x323A_1022 = vector.broadcast %threefry2x323A_1021 : i32 to vector<64x128xi32>
      %threefry2x323A_1023 = arith.addi %threefry2x323A_1020, %threefry2x323A_1022 : vector<64x128xi32>
      %threefry2x323A_1024 = arith.addi %threefry2x323A_1018, %threefry2x323A_1023 : vector<64x128xi32>
      %threefry2x323A_1025 = arith.constant 13 : i32
      %threefry2x323A_1026 = vector.broadcast %threefry2x323A_1025 : i32 to vector<64x128xi32>
      %threefry2x323A_1027 = arith.shli %threefry2x323A_1023, %threefry2x323A_1026 : vector<64x128xi32>
      %threefry2x323A_1028 = arith.constant 19 : i32
      %threefry2x323A_1029 = vector.broadcast %threefry2x323A_1028 : i32 to vector<64x128xi32>
      %threefry2x323A_1030 = arith.shrui %threefry2x323A_1023, %threefry2x323A_1029 : vector<64x128xi32>
      %threefry2x323A_1031 = arith.ori %threefry2x323A_1027, %threefry2x323A_1030 : vector<64x128xi32>
      %threefry2x323A_1032 = arith.xori %threefry2x323A_1024, %threefry2x323A_1031 : vector<64x128xi32>
      %threefry2x323A_1033 = arith.addi %threefry2x323A_1024, %threefry2x323A_1032 : vector<64x128xi32>
      %threefry2x323A_1034 = arith.constant 15 : i32
      %threefry2x323A_1035 = vector.broadcast %threefry2x323A_1034 : i32 to vector<64x128xi32>
      %threefry2x323A_1036 = arith.shli %threefry2x323A_1032, %threefry2x323A_1035 : vector<64x128xi32>
      %threefry2x323A_1037 = arith.constant 17 : i32
      %threefry2x323A_1038 = vector.broadcast %threefry2x323A_1037 : i32 to vector<64x128xi32>
      %threefry2x323A_1039 = arith.shrui %threefry2x323A_1032, %threefry2x323A_1038 : vector<64x128xi32>
      %threefry2x323A_1040 = arith.ori %threefry2x323A_1036, %threefry2x323A_1039 : vector<64x128xi32>
      %threefry2x323A_1041 = arith.xori %threefry2x323A_1033, %threefry2x323A_1040 : vector<64x128xi32>
      %threefry2x323A_1042 = arith.addi %threefry2x323A_1033, %threefry2x323A_1041 : vector<64x128xi32>
      %threefry2x323A_1043 = arith.constant 26 : i32
      %threefry2x323A_1044 = vector.broadcast %threefry2x323A_1043 : i32 to vector<64x128xi32>
      %threefry2x323A_1045 = arith.shli %threefry2x323A_1041, %threefry2x323A_1044 : vector<64x128xi32>
      %threefry2x323A_1046 = arith.constant 6 : i32
      %threefry2x323A_1047 = vector.broadcast %threefry2x323A_1046 : i32 to vector<64x128xi32>
      %threefry2x323A_1048 = arith.shrui %threefry2x323A_1041, %threefry2x323A_1047 : vector<64x128xi32>
      %threefry2x323A_1049 = arith.ori %threefry2x323A_1045, %threefry2x323A_1048 : vector<64x128xi32>
      %threefry2x323A_1050 = arith.xori %threefry2x323A_1042, %threefry2x323A_1049 : vector<64x128xi32>
      %threefry2x323A_1051 = arith.addi %threefry2x323A_1042, %threefry2x323A_1050 : vector<64x128xi32>
      %threefry2x323A_1052 = arith.constant 6 : i32
      %threefry2x323A_1053 = vector.broadcast %threefry2x323A_1052 : i32 to vector<64x128xi32>
      %threefry2x323A_1054 = arith.shli %threefry2x323A_1050, %threefry2x323A_1053 : vector<64x128xi32>
      %threefry2x323A_1055 = arith.constant 26 : i32
      %threefry2x323A_1056 = vector.broadcast %threefry2x323A_1055 : i32 to vector<64x128xi32>
      %threefry2x323A_1057 = arith.shrui %threefry2x323A_1050, %threefry2x323A_1056 : vector<64x128xi32>
      %threefry2x323A_1058 = arith.ori %threefry2x323A_1054, %threefry2x323A_1057 : vector<64x128xi32>
      %threefry2x323A_1059 = arith.xori %threefry2x323A_1051, %threefry2x323A_1058 : vector<64x128xi32>
      %threefry2x323A_1060 = vector.broadcast %threefry2x323A_847 : i32 to vector<64x128xi32>
      %threefry2x323A_1061 = arith.addi %threefry2x323A_1051, %threefry2x323A_1060 : vector<64x128xi32>
      %threefry2x323A_1062 = vector.broadcast %threefry2x323A_843 : i32 to vector<64x128xi32>
      %threefry2x323A_1063 = arith.addi %threefry2x323A_1059, %threefry2x323A_1062 : vector<64x128xi32>
      %threefry2x323A_1064 = arith.constant 5 : i32
      %threefry2x323A_1065 = vector.broadcast %threefry2x323A_1064 : i32 to vector<64x128xi32>
      %threefry2x323A_1066 = arith.addi %threefry2x323A_1063, %threefry2x323A_1065 : vector<64x128xi32>
      "tpu.trace_stop"() : () -> ()
      %xor3A_1067 = arith.xori %threefry2x323A_1061, %threefry2x323A_1066 : vector<64x128xi32>
      %shift_right_logical3A_1068 = arith.constant 9 : i32
      %shift_right_logical3A_1069 = vector.broadcast %shift_right_logical3A_1068 : i32 to vector<64x128xi32>
      %shift_right_logical3A_1070 = arith.shrui %xor3A_1067, %shift_right_logical3A_1069 : vector<64x128xi32>
      %or3A_1071 = arith.constant 1065353216 : i32
      %or3A_1072 = vector.broadcast %or3A_1071 : i32 to vector<64x128xi32>
      %or3A_1073 = arith.ori %shift_right_logical3A_1070, %or3A_1072 : vector<64x128xi32>
      %bitcast_convert_type3A_1074 = tpu.bitcast %or3A_1073 : vector<64x128xi32> -> vector<64x128xf32>
      %sub3A_1075 = arith.constant 1.000000e+00 : f32
      %sub3A_1076 = vector.broadcast %sub3A_1075 : f32 to vector<64x128xf32>
      %sub3A_1077 = arith.subf %bitcast_convert_type3A_1074, %sub3A_1076 : vector<64x128xf32>
      %mul3A_1078 = arith.constant 1.000000e+00 : f32
      %mul3A_1079 = vector.broadcast %mul3A_1078 : f32 to vector<64x128xf32>
      %mul3A_1080 = arith.mulf %sub3A_1077, %mul3A_1079 : vector<64x128xf32>
      %add3A_1081 = arith.constant 1.17549435E-38 : f32
      %add3A_1082 = vector.broadcast %add3A_1081 : f32 to vector<64x128xf32>
      %add3A_1083 = arith.addf %mul3A_1080, %add3A_1082 : vector<64x128xf32>
      %max3A_1084 = arith.constant 1.17549435E-38 : f32
      %max3A_1085 = vector.broadcast %max3A_1084 : f32 to vector<64x128xf32>
      %max3A_1086 = arith.maximumf %max3A_1085, %add3A_1083 : vector<64x128xf32>
      %mul3A_1087 = arith.constant 128 : i32
      %mul3A_1088 = arith.muli %scan3A_836, %mul3A_1087 : i32
      %get3A_1089 = arith.constant 0 : index
      %get3A_1090 = arith.index_cast %mul3A_1088 : i32 to index
      %get3A_1091 = vector.load %arg3[%get3A_1089, %get3A_1090] : memref<64x8192xf32, #tpu.memory_space<vmem>>, vector<64x128xf32>
      %log3A_1092 = math.log %max3A_1086 : vector<64x128xf32>
      %neg3A_1093 = arith.constant 0.000000e+00 : f32
      %neg3A_1094 = vector.broadcast %neg3A_1093 : f32 to vector<64x128xf32>
      %neg3A_1095 = arith.subf %neg3A_1094, %log3A_1092 : vector<64x128xf32>
      %log3A_1096 = math.log %neg3A_1095 : vector<64x128xf32>
      %neg3A_1097 = arith.constant 0.000000e+00 : f32
      %neg3A_1098 = vector.broadcast %neg3A_1097 : f32 to vector<64x128xf32>
      %neg3A_1099 = arith.subf %neg3A_1098, %log3A_1096 : vector<64x128xf32>
      %add3A_1100 = arith.addf %neg3A_1099, %get3A_1091 : vector<64x128xf32>
      %gt3A_1101 = arith.cmpf ogt, %add3A_1100, %select_n3A_834 : vector<64x128xf32>
      %mul3A_1102 = arith.constant 128 : i32
      %mul3A_1103 = arith.muli %scan3A_836, %mul3A_1102 : i32
      %add3A_1104 = vector.broadcast %mul3A_1103 : i32 to vector<64x128xi32>
      %add3A_1105 = arith.addi %add3A_1104, %iota3A_2 : vector<64x128xi32>
      %select_n3A_1106 = arith.select %gt3A_1101, %add3A_1105, %select_n3A_833 : vector<64x128xi1>, vector<64x128xi32>
      %select_n3A_1107 = arith.select %gt3A_1101, %add3A_1100, %select_n3A_834 : vector<64x128xi1>, vector<64x128xf32>
      %scan3A_1108 = arith.constant 4 : i32
      %scan3A_1109 = arith.addi %scan3A_26, %scan3A_1108 : i32
      %mul3A_1110 = arith.constant 128 : i32
      %mul3A_1111 = arith.muli %scan3A_1109, %mul3A_1110 : i32
      %add3A_1112 = vector.broadcast %mul3A_1111 : i32 to vector<64x128xi32>
      %add3A_1113 = arith.addi %add3A_8, %add3A_1112 : vector<64x128xi32>
      %broadcast_in_dim3A_1114 = arith.constant 0 : i32
      %broadcast_in_dim3A_1115 = vector.broadcast %broadcast_in_dim3A_1114 : i32 to vector<64x128xi32>
      %threefry2x323A_1116 = arith.constant 0 : i32
      %threefry2x323A_1117 = arith.constant 2 : i32
      "tpu.trace_start"() <{level = 10 : i32, message = "threefry2x32"}> : () -> ()
      %threefry2x323A_1118 = arith.xori %threefry2x323A_1116, %threefry2x323A_1117 : i32
      %threefry2x323A_1119 = arith.constant 466688986 : i32
      %threefry2x323A_1120 = arith.xori %threefry2x323A_1118, %threefry2x323A_1119 : i32
      %threefry2x323A_1121 = vector.broadcast %threefry2x323A_1116 : i32 to vector<64x128xi32>
      %threefry2x323A_1122 = arith.addi %broadcast_in_dim3A_1115, %threefry2x323A_1121 : vector<64x128xi32>
      %threefry2x323A_1123 = vector.broadcast %threefry2x323A_1117 : i32 to vector<64x128xi32>
      %threefry2x323A_1124 = arith.addi %add3A_1113, %threefry2x323A_1123 : vector<64x128xi32>
      %threefry2x323A_1125 = arith.addi %threefry2x323A_1122, %threefry2x323A_1124 : vector<64x128xi32>
      %threefry2x323A_1126 = arith.constant 13 : i32
      %threefry2x323A_1127 = vector.broadcast %threefry2x323A_1126 : i32 to vector<64x128xi32>
      %threefry2x323A_1128 = arith.shli %threefry2x323A_1124, %threefry2x323A_1127 : vector<64x128xi32>
      %threefry2x323A_1129 = arith.constant 19 : i32
      %threefry2x323A_1130 = vector.broadcast %threefry2x323A_1129 : i32 to vector<64x128xi32>
      %threefry2x323A_1131 = arith.shrui %threefry2x323A_1124, %threefry2x323A_1130 : vector<64x128xi32>
      %threefry2x323A_1132 = arith.ori %threefry2x323A_1128, %threefry2x323A_1131 : vector<64x128xi32>
      %threefry2x323A_1133 = arith.xori %threefry2x323A_1125, %threefry2x323A_1132 : vector<64x128xi32>
      %threefry2x323A_1134 = arith.addi %threefry2x323A_1125, %threefry2x323A_1133 : vector<64x128xi32>
      %threefry2x323A_1135 = arith.constant 15 : i32
      %threefry2x323A_1136 = vector.broadcast %threefry2x323A_1135 : i32 to vector<64x128xi32>
      %threefry2x323A_1137 = arith.shli %threefry2x323A_1133, %threefry2x323A_1136 : vector<64x128xi32>
      %threefry2x323A_1138 = arith.constant 17 : i32
      %threefry2x323A_1139 = vector.broadcast %threefry2x323A_1138 : i32 to vector<64x128xi32>
      %threefry2x323A_1140 = arith.shrui %threefry2x323A_1133, %threefry2x323A_1139 : vector<64x128xi32>
      %threefry2x323A_1141 = arith.ori %threefry2x323A_1137, %threefry2x323A_1140 : vector<64x128xi32>
      %threefry2x323A_1142 = arith.xori %threefry2x323A_1134, %threefry2x323A_1141 : vector<64x128xi32>
      %threefry2x323A_1143 = arith.addi %threefry2x323A_1134, %threefry2x323A_1142 : vector<64x128xi32>
      %threefry2x323A_1144 = arith.constant 26 : i32
      %threefry2x323A_1145 = vector.broadcast %threefry2x323A_1144 : i32 to vector<64x128xi32>
      %threefry2x323A_1146 = arith.shli %threefry2x323A_1142, %threefry2x323A_1145 : vector<64x128xi32>
      %threefry2x323A_1147 = arith.constant 6 : i32
      %threefry2x323A_1148 = vector.broadcast %threefry2x323A_1147 : i32 to vector<64x128xi32>
      %threefry2x323A_1149 = arith.shrui %threefry2x323A_1142, %threefry2x323A_1148 : vector<64x128xi32>
      %threefry2x323A_1150 = arith.ori %threefry2x323A_1146, %threefry2x323A_1149 : vector<64x128xi32>
      %threefry2x323A_1151 = arith.xori %threefry2x323A_1143, %threefry2x323A_1150 : vector<64x128xi32>
      %threefry2x323A_1152 = arith.addi %threefry2x323A_1143, %threefry2x323A_1151 : vector<64x128xi32>
      %threefry2x323A_1153 = arith.constant 6 : i32
      %threefry2x323A_1154 = vector.broadcast %threefry2x323A_1153 : i32 to vector<64x128xi32>
      %threefry2x323A_1155 = arith.shli %threefry2x323A_1151, %threefry2x323A_1154 : vector<64x128xi32>
      %threefry2x323A_1156 = arith.constant 26 : i32
      %threefry2x323A_1157 = vector.broadcast %threefry2x323A_1156 : i32 to vector<64x128xi32>
      %threefry2x323A_1158 = arith.shrui %threefry2x323A_1151, %threefry2x323A_1157 : vector<64x128xi32>
      %threefry2x323A_1159 = arith.ori %threefry2x323A_1155, %threefry2x323A_1158 : vector<64x128xi32>
      %threefry2x323A_1160 = arith.xori %threefry2x323A_1152, %threefry2x323A_1159 : vector<64x128xi32>
      %threefry2x323A_1161 = vector.broadcast %threefry2x323A_1117 : i32 to vector<64x128xi32>
      %threefry2x323A_1162 = arith.addi %threefry2x323A_1152, %threefry2x323A_1161 : vector<64x128xi32>
      %threefry2x323A_1163 = vector.broadcast %threefry2x323A_1120 : i32 to vector<64x128xi32>
      %threefry2x323A_1164 = arith.addi %threefry2x323A_1160, %threefry2x323A_1163 : vector<64x128xi32>
      %threefry2x323A_1165 = arith.constant 1 : i32
      %threefry2x323A_1166 = vector.broadcast %threefry2x323A_1165 : i32 to vector<64x128xi32>
      %threefry2x323A_1167 = arith.addi %threefry2x323A_1164, %threefry2x323A_1166 : vector<64x128xi32>
      %threefry2x323A_1168 = arith.addi %threefry2x323A_1162, %threefry2x323A_1167 : vector<64x128xi32>
      %threefry2x323A_1169 = arith.constant 17 : i32
      %threefry2x323A_1170 = vector.broadcast %threefry2x323A_1169 : i32 to vector<64x128xi32>
      %threefry2x323A_1171 = arith.shli %threefry2x323A_1167, %threefry2x323A_1170 : vector<64x128xi32>
      %threefry2x323A_1172 = arith.constant 15 : i32
      %threefry2x323A_1173 = vector.broadcast %threefry2x323A_1172 : i32 to vector<64x128xi32>
      %threefry2x323A_1174 = arith.shrui %threefry2x323A_1167, %threefry2x323A_1173 : vector<64x128xi32>
      %threefry2x323A_1175 = arith.ori %threefry2x323A_1171, %threefry2x323A_1174 : vector<64x128xi32>
      %threefry2x323A_1176 = arith.xori %threefry2x323A_1168, %threefry2x323A_1175 : vector<64x128xi32>
      %threefry2x323A_1177 = arith.addi %threefry2x323A_1168, %threefry2x323A_1176 : vector<64x128xi32>
      %threefry2x323A_1178 = arith.constant 29 : i32
      %threefry2x323A_1179 = vector.broadcast %threefry2x323A_1178 : i32 to vector<64x128xi32>
      %threefry2x323A_1180 = arith.shli %threefry2x323A_1176, %threefry2x323A_1179 : vector<64x128xi32>
      %threefry2x323A_1181 = arith.constant 3 : i32
      %threefry2x323A_1182 = vector.broadcast %threefry2x323A_1181 : i32 to vector<64x128xi32>
      %threefry2x323A_1183 = arith.shrui %threefry2x323A_1176, %threefry2x323A_1182 : vector<64x128xi32>
      %threefry2x323A_1184 = arith.ori %threefry2x323A_1180, %threefry2x323A_1183 : vector<64x128xi32>
      %threefry2x323A_1185 = arith.xori %threefry2x323A_1177, %threefry2x323A_1184 : vector<64x128xi32>
      %threefry2x323A_1186 = arith.addi %threefry2x323A_1177, %threefry2x323A_1185 : vector<64x128xi32>
      %threefry2x323A_1187 = arith.constant 16 : i32
      %threefry2x323A_1188 = vector.broadcast %threefry2x323A_1187 : i32 to vector<64x128xi32>
      %threefry2x323A_1189 = arith.shli %threefry2x323A_1185, %threefry2x323A_1188 : vector<64x128xi32>
      %threefry2x323A_1190 = arith.constant 16 : i32
      %threefry2x323A_1191 = vector.broadcast %threefry2x323A_1190 : i32 to vector<64x128xi32>
      %threefry2x323A_1192 = arith.shrui %threefry2x323A_1185, %threefry2x323A_1191 : vector<64x128xi32>
      %threefry2x323A_1193 = arith.ori %threefry2x323A_1189, %threefry2x323A_1192 : vector<64x128xi32>
      %threefry2x323A_1194 = arith.xori %threefry2x323A_1186, %threefry2x323A_1193 : vector<64x128xi32>
      %threefry2x323A_1195 = arith.addi %threefry2x323A_1186, %threefry2x323A_1194 : vector<64x128xi32>
      %threefry2x323A_1196 = arith.constant 24 : i32
      %threefry2x323A_1197 = vector.broadcast %threefry2x323A_1196 : i32 to vector<64x128xi32>
      %threefry2x323A_1198 = arith.shli %threefry2x323A_1194, %threefry2x323A_1197 : vector<64x128xi32>
      %threefry2x323A_1199 = arith.constant 8 : i32
      %threefry2x323A_1200 = vector.broadcast %threefry2x323A_1199 : i32 to vector<64x128xi32>
      %threefry2x323A_1201 = arith.shrui %threefry2x323A_1194, %threefry2x323A_1200 : vector<64x128xi32>
      %threefry2x323A_1202 = arith.ori %threefry2x323A_1198, %threefry2x323A_1201 : vector<64x128xi32>
      %threefry2x323A_1203 = arith.xori %threefry2x323A_1195, %threefry2x323A_1202 : vector<64x128xi32>
      %threefry2x323A_1204 = vector.broadcast %threefry2x323A_1120 : i32 to vector<64x128xi32>
      %threefry2x323A_1205 = arith.addi %threefry2x323A_1195, %threefry2x323A_1204 : vector<64x128xi32>
      %threefry2x323A_1206 = vector.broadcast %threefry2x323A_1116 : i32 to vector<64x128xi32>
      %threefry2x323A_1207 = arith.addi %threefry2x323A_1203, %threefry2x323A_1206 : vector<64x128xi32>
      %threefry2x323A_1208 = arith.constant 2 : i32
      %threefry2x323A_1209 = vector.broadcast %threefry2x323A_1208 : i32 to vector<64x128xi32>
      %threefry2x323A_1210 = arith.addi %threefry2x323A_1207, %threefry2x323A_1209 : vector<64x128xi32>
      %threefry2x323A_1211 = arith.addi %threefry2x323A_1205, %threefry2x323A_1210 : vector<64x128xi32>
      %threefry2x323A_1212 = arith.constant 13 : i32
      %threefry2x323A_1213 = vector.broadcast %threefry2x323A_1212 : i32 to vector<64x128xi32>
      %threefry2x323A_1214 = arith.shli %threefry2x323A_1210, %threefry2x323A_1213 : vector<64x128xi32>
      %threefry2x323A_1215 = arith.constant 19 : i32
      %threefry2x323A_1216 = vector.broadcast %threefry2x323A_1215 : i32 to vector<64x128xi32>
      %threefry2x323A_1217 = arith.shrui %threefry2x323A_1210, %threefry2x323A_1216 : vector<64x128xi32>
      %threefry2x323A_1218 = arith.ori %threefry2x323A_1214, %threefry2x323A_1217 : vector<64x128xi32>
      %threefry2x323A_1219 = arith.xori %threefry2x323A_1211, %threefry2x323A_1218 : vector<64x128xi32>
      %threefry2x323A_1220 = arith.addi %threefry2x323A_1211, %threefry2x323A_1219 : vector<64x128xi32>
      %threefry2x323A_1221 = arith.constant 15 : i32
      %threefry2x323A_1222 = vector.broadcast %threefry2x323A_1221 : i32 to vector<64x128xi32>
      %threefry2x323A_1223 = arith.shli %threefry2x323A_1219, %threefry2x323A_1222 : vector<64x128xi32>
      %threefry2x323A_1224 = arith.constant 17 : i32
      %threefry2x323A_1225 = vector.broadcast %threefry2x323A_1224 : i32 to vector<64x128xi32>
      %threefry2x323A_1226 = arith.shrui %threefry2x323A_1219, %threefry2x323A_1225 : vector<64x128xi32>
      %threefry2x323A_1227 = arith.ori %threefry2x323A_1223, %threefry2x323A_1226 : vector<64x128xi32>
      %threefry2x323A_1228 = arith.xori %threefry2x323A_1220, %threefry2x323A_1227 : vector<64x128xi32>
      %threefry2x323A_1229 = arith.addi %threefry2x323A_1220, %threefry2x323A_1228 : vector<64x128xi32>
      %threefry2x323A_1230 = arith.constant 26 : i32
      %threefry2x323A_1231 = vector.broadcast %threefry2x323A_1230 : i32 to vector<64x128xi32>
      %threefry2x323A_1232 = arith.shli %threefry2x323A_1228, %threefry2x323A_1231 : vector<64x128xi32>
      %threefry2x323A_1233 = arith.constant 6 : i32
      %threefry2x323A_1234 = vector.broadcast %threefry2x323A_1233 : i32 to vector<64x128xi32>
      %threefry2x323A_1235 = arith.shrui %threefry2x323A_1228, %threefry2x323A_1234 : vector<64x128xi32>
      %threefry2x323A_1236 = arith.ori %threefry2x323A_1232, %threefry2x323A_1235 : vector<64x128xi32>
      %threefry2x323A_1237 = arith.xori %threefry2x323A_1229, %threefry2x323A_1236 : vector<64x128xi32>
      %threefry2x323A_1238 = arith.addi %threefry2x323A_1229, %threefry2x323A_1237 : vector<64x128xi32>
      %threefry2x323A_1239 = arith.constant 6 : i32
      %threefry2x323A_1240 = vector.broadcast %threefry2x323A_1239 : i32 to vector<64x128xi32>
      %threefry2x323A_1241 = arith.shli %threefry2x323A_1237, %threefry2x323A_1240 : vector<64x128xi32>
      %threefry2x323A_1242 = arith.constant 26 : i32
      %threefry2x323A_1243 = vector.broadcast %threefry2x323A_1242 : i32 to vector<64x128xi32>
      %threefry2x323A_1244 = arith.shrui %threefry2x323A_1237, %threefry2x323A_1243 : vector<64x128xi32>
      %threefry2x323A_1245 = arith.ori %threefry2x323A_1241, %threefry2x323A_1244 : vector<64x128xi32>
      %threefry2x323A_1246 = arith.xori %threefry2x323A_1238, %threefry2x323A_1245 : vector<64x128xi32>
      %threefry2x323A_1247 = vector.broadcast %threefry2x323A_1116 : i32 to vector<64x128xi32>
      %threefry2x323A_1248 = arith.addi %threefry2x323A_1238, %threefry2x323A_1247 : vector<64x128xi32>
      %threefry2x323A_1249 = vector.broadcast %threefry2x323A_1117 : i32 to vector<64x128xi32>
      %threefry2x323A_1250 = arith.addi %threefry2x323A_1246, %threefry2x323A_1249 : vector<64x128xi32>
      %threefry2x323A_1251 = arith.constant 3 : i32
      %threefry2x323A_1252 = vector.broadcast %threefry2x323A_1251 : i32 to vector<64x128xi32>
      %threefry2x323A_1253 = arith.addi %threefry2x323A_1250, %threefry2x323A_1252 : vector<64x128xi32>
      %threefry2x323A_1254 = arith.addi %threefry2x323A_1248, %threefry2x323A_1253 : vector<64x128xi32>
      %threefry2x323A_1255 = arith.constant 17 : i32
      %threefry2x323A_1256 = vector.broadcast %threefry2x323A_1255 : i32 to vector<64x128xi32>
      %threefry2x323A_1257 = arith.shli %threefry2x323A_1253, %threefry2x323A_1256 : vector<64x128xi32>
      %threefry2x323A_1258 = arith.constant 15 : i32
      %threefry2x323A_1259 = vector.broadcast %threefry2x323A_1258 : i32 to vector<64x128xi32>
      %threefry2x323A_1260 = arith.shrui %threefry2x323A_1253, %threefry2x323A_1259 : vector<64x128xi32>
      %threefry2x323A_1261 = arith.ori %threefry2x323A_1257, %threefry2x323A_1260 : vector<64x128xi32>
      %threefry2x323A_1262 = arith.xori %threefry2x323A_1254, %threefry2x323A_1261 : vector<64x128xi32>
      %threefry2x323A_1263 = arith.addi %threefry2x323A_1254, %threefry2x323A_1262 : vector<64x128xi32>
      %threefry2x323A_1264 = arith.constant 29 : i32
      %threefry2x323A_1265 = vector.broadcast %threefry2x323A_1264 : i32 to vector<64x128xi32>
      %threefry2x323A_1266 = arith.shli %threefry2x323A_1262, %threefry2x323A_1265 : vector<64x128xi32>
      %threefry2x323A_1267 = arith.constant 3 : i32
      %threefry2x323A_1268 = vector.broadcast %threefry2x323A_1267 : i32 to vector<64x128xi32>
      %threefry2x323A_1269 = arith.shrui %threefry2x323A_1262, %threefry2x323A_1268 : vector<64x128xi32>
      %threefry2x323A_1270 = arith.ori %threefry2x323A_1266, %threefry2x323A_1269 : vector<64x128xi32>
      %threefry2x323A_1271 = arith.xori %threefry2x323A_1263, %threefry2x323A_1270 : vector<64x128xi32>
      %threefry2x323A_1272 = arith.addi %threefry2x323A_1263, %threefry2x323A_1271 : vector<64x128xi32>
      %threefry2x323A_1273 = arith.constant 16 : i32
      %threefry2x323A_1274 = vector.broadcast %threefry2x323A_1273 : i32 to vector<64x128xi32>
      %threefry2x323A_1275 = arith.shli %threefry2x323A_1271, %threefry2x323A_1274 : vector<64x128xi32>
      %threefry2x323A_1276 = arith.constant 16 : i32
      %threefry2x323A_1277 = vector.broadcast %threefry2x323A_1276 : i32 to vector<64x128xi32>
      %threefry2x323A_1278 = arith.shrui %threefry2x323A_1271, %threefry2x323A_1277 : vector<64x128xi32>
      %threefry2x323A_1279 = arith.ori %threefry2x323A_1275, %threefry2x323A_1278 : vector<64x128xi32>
      %threefry2x323A_1280 = arith.xori %threefry2x323A_1272, %threefry2x323A_1279 : vector<64x128xi32>
      %threefry2x323A_1281 = arith.addi %threefry2x323A_1272, %threefry2x323A_1280 : vector<64x128xi32>
      %threefry2x323A_1282 = arith.constant 24 : i32
      %threefry2x323A_1283 = vector.broadcast %threefry2x323A_1282 : i32 to vector<64x128xi32>
      %threefry2x323A_1284 = arith.shli %threefry2x323A_1280, %threefry2x323A_1283 : vector<64x128xi32>
      %threefry2x323A_1285 = arith.constant 8 : i32
      %threefry2x323A_1286 = vector.broadcast %threefry2x323A_1285 : i32 to vector<64x128xi32>
      %threefry2x323A_1287 = arith.shrui %threefry2x323A_1280, %threefry2x323A_1286 : vector<64x128xi32>
      %threefry2x323A_1288 = arith.ori %threefry2x323A_1284, %threefry2x323A_1287 : vector<64x128xi32>
      %threefry2x323A_1289 = arith.xori %threefry2x323A_1281, %threefry2x323A_1288 : vector<64x128xi32>
      %threefry2x323A_1290 = vector.broadcast %threefry2x323A_1117 : i32 to vector<64x128xi32>
      %threefry2x323A_1291 = arith.addi %threefry2x323A_1281, %threefry2x323A_1290 : vector<64x128xi32>
      %threefry2x323A_1292 = vector.broadcast %threefry2x323A_1120 : i32 to vector<64x128xi32>
      %threefry2x323A_1293 = arith.addi %threefry2x323A_1289, %threefry2x323A_1292 : vector<64x128xi32>
      %threefry2x323A_1294 = arith.constant 4 : i32
      %threefry2x323A_1295 = vector.broadcast %threefry2x323A_1294 : i32 to vector<64x128xi32>
      %threefry2x323A_1296 = arith.addi %threefry2x323A_1293, %threefry2x323A_1295 : vector<64x128xi32>
      %threefry2x323A_1297 = arith.addi %threefry2x323A_1291, %threefry2x323A_1296 : vector<64x128xi32>
      %threefry2x323A_1298 = arith.constant 13 : i32
      %threefry2x323A_1299 = vector.broadcast %threefry2x323A_1298 : i32 to vector<64x128xi32>
      %threefry2x323A_1300 = arith.shli %threefry2x323A_1296, %threefry2x323A_1299 : vector<64x128xi32>
      %threefry2x323A_1301 = arith.constant 19 : i32
      %threefry2x323A_1302 = vector.broadcast %threefry2x323A_1301 : i32 to vector<64x128xi32>
      %threefry2x323A_1303 = arith.shrui %threefry2x323A_1296, %threefry2x323A_1302 : vector<64x128xi32>
      %threefry2x323A_1304 = arith.ori %threefry2x323A_1300, %threefry2x323A_1303 : vector<64x128xi32>
      %threefry2x323A_1305 = arith.xori %threefry2x323A_1297, %threefry2x323A_1304 : vector<64x128xi32>
      %threefry2x323A_1306 = arith.addi %threefry2x323A_1297, %threefry2x323A_1305 : vector<64x128xi32>
      %threefry2x323A_1307 = arith.constant 15 : i32
      %threefry2x323A_1308 = vector.broadcast %threefry2x323A_1307 : i32 to vector<64x128xi32>
      %threefry2x323A_1309 = arith.shli %threefry2x323A_1305, %threefry2x323A_1308 : vector<64x128xi32>
      %threefry2x323A_1310 = arith.constant 17 : i32
      %threefry2x323A_1311 = vector.broadcast %threefry2x323A_1310 : i32 to vector<64x128xi32>
      %threefry2x323A_1312 = arith.shrui %threefry2x323A_1305, %threefry2x323A_1311 : vector<64x128xi32>
      %threefry2x323A_1313 = arith.ori %threefry2x323A_1309, %threefry2x323A_1312 : vector<64x128xi32>
      %threefry2x323A_1314 = arith.xori %threefry2x323A_1306, %threefry2x323A_1313 : vector<64x128xi32>
      %threefry2x323A_1315 = arith.addi %threefry2x323A_1306, %threefry2x323A_1314 : vector<64x128xi32>
      %threefry2x323A_1316 = arith.constant 26 : i32
      %threefry2x323A_1317 = vector.broadcast %threefry2x323A_1316 : i32 to vector<64x128xi32>
      %threefry2x323A_1318 = arith.shli %threefry2x323A_1314, %threefry2x323A_1317 : vector<64x128xi32>
      %threefry2x323A_1319 = arith.constant 6 : i32
      %threefry2x323A_1320 = vector.broadcast %threefry2x323A_1319 : i32 to vector<64x128xi32>
      %threefry2x323A_1321 = arith.shrui %threefry2x323A_1314, %threefry2x323A_1320 : vector<64x128xi32>
      %threefry2x323A_1322 = arith.ori %threefry2x323A_1318, %threefry2x323A_1321 : vector<64x128xi32>
      %threefry2x323A_1323 = arith.xori %threefry2x323A_1315, %threefry2x323A_1322 : vector<64x128xi32>
      %threefry2x323A_1324 = arith.addi %threefry2x323A_1315, %threefry2x323A_1323 : vector<64x128xi32>
      %threefry2x323A_1325 = arith.constant 6 : i32
      %threefry2x323A_1326 = vector.broadcast %threefry2x323A_1325 : i32 to vector<64x128xi32>
      %threefry2x323A_1327 = arith.shli %threefry2x323A_1323, %threefry2x323A_1326 : vector<64x128xi32>
      %threefry2x323A_1328 = arith.constant 26 : i32
      %threefry2x323A_1329 = vector.broadcast %threefry2x323A_1328 : i32 to vector<64x128xi32>
      %threefry2x323A_1330 = arith.shrui %threefry2x323A_1323, %threefry2x323A_1329 : vector<64x128xi32>
      %threefry2x323A_1331 = arith.ori %threefry2x323A_1327, %threefry2x323A_1330 : vector<64x128xi32>
      %threefry2x323A_1332 = arith.xori %threefry2x323A_1324, %threefry2x323A_1331 : vector<64x128xi32>
      %threefry2x323A_1333 = vector.broadcast %threefry2x323A_1120 : i32 to vector<64x128xi32>
      %threefry2x323A_1334 = arith.addi %threefry2x323A_1324, %threefry2x323A_1333 : vector<64x128xi32>
      %threefry2x323A_1335 = vector.broadcast %threefry2x323A_1116 : i32 to vector<64x128xi32>
      %threefry2x323A_1336 = arith.addi %threefry2x323A_1332, %threefry2x323A_1335 : vector<64x128xi32>
      %threefry2x323A_1337 = arith.constant 5 : i32
      %threefry2x323A_1338 = vector.broadcast %threefry2x323A_1337 : i32 to vector<64x128xi32>
      %threefry2x323A_1339 = arith.addi %threefry2x323A_1336, %threefry2x323A_1338 : vector<64x128xi32>
      "tpu.trace_stop"() : () -> ()
      %xor3A_1340 = arith.xori %threefry2x323A_1334, %threefry2x323A_1339 : vector<64x128xi32>
      %shift_right_logical3A_1341 = arith.constant 9 : i32
      %shift_right_logical3A_1342 = vector.broadcast %shift_right_logical3A_1341 : i32 to vector<64x128xi32>
      %shift_right_logical3A_1343 = arith.shrui %xor3A_1340, %shift_right_logical3A_1342 : vector<64x128xi32>
      %or3A_1344 = arith.constant 1065353216 : i32
      %or3A_1345 = vector.broadcast %or3A_1344 : i32 to vector<64x128xi32>
      %or3A_1346 = arith.ori %shift_right_logical3A_1343, %or3A_1345 : vector<64x128xi32>
      %bitcast_convert_type3A_1347 = tpu.bitcast %or3A_1346 : vector<64x128xi32> -> vector<64x128xf32>
      %sub3A_1348 = arith.constant 1.000000e+00 : f32
      %sub3A_1349 = vector.broadcast %sub3A_1348 : f32 to vector<64x128xf32>
      %sub3A_1350 = arith.subf %bitcast_convert_type3A_1347, %sub3A_1349 : vector<64x128xf32>
      %mul3A_1351 = arith.constant 1.000000e+00 : f32
      %mul3A_1352 = vector.broadcast %mul3A_1351 : f32 to vector<64x128xf32>
      %mul3A_1353 = arith.mulf %sub3A_1350, %mul3A_1352 : vector<64x128xf32>
      %add3A_1354 = arith.constant 1.17549435E-38 : f32
      %add3A_1355 = vector.broadcast %add3A_1354 : f32 to vector<64x128xf32>
      %add3A_1356 = arith.addf %mul3A_1353, %add3A_1355 : vector<64x128xf32>
      %max3A_1357 = arith.constant 1.17549435E-38 : f32
      %max3A_1358 = vector.broadcast %max3A_1357 : f32 to vector<64x128xf32>
      %max3A_1359 = arith.maximumf %max3A_1358, %add3A_1356 : vector<64x128xf32>
      %mul3A_1360 = arith.constant 128 : i32
      %mul3A_1361 = arith.muli %scan3A_1109, %mul3A_1360 : i32
      %get3A_1362 = arith.constant 0 : index
      %get3A_1363 = arith.index_cast %mul3A_1361 : i32 to index
      %get3A_1364 = vector.load %arg3[%get3A_1362, %get3A_1363] : memref<64x8192xf32, #tpu.memory_space<vmem>>, vector<64x128xf32>
      %log3A_1365 = math.log %max3A_1359 : vector<64x128xf32>
      %neg3A_1366 = arith.constant 0.000000e+00 : f32
      %neg3A_1367 = vector.broadcast %neg3A_1366 : f32 to vector<64x128xf32>
      %neg3A_1368 = arith.subf %neg3A_1367, %log3A_1365 : vector<64x128xf32>
      %log3A_1369 = math.log %neg3A_1368 : vector<64x128xf32>
      %neg3A_1370 = arith.constant 0.000000e+00 : f32
      %neg3A_1371 = vector.broadcast %neg3A_1370 : f32 to vector<64x128xf32>
      %neg3A_1372 = arith.subf %neg3A_1371, %log3A_1369 : vector<64x128xf32>
      %add3A_1373 = arith.addf %neg3A_1372, %get3A_1364 : vector<64x128xf32>
      %gt3A_1374 = arith.cmpf ogt, %add3A_1373, %select_n3A_1107 : vector<64x128xf32>
      %mul3A_1375 = arith.constant 128 : i32
      %mul3A_1376 = arith.muli %scan3A_1109, %mul3A_1375 : i32
      %add3A_1377 = vector.broadcast %mul3A_1376 : i32 to vector<64x128xi32>
      %add3A_1378 = arith.addi %add3A_1377, %iota3A_2 : vector<64x128xi32>
      %select_n3A_1379 = arith.select %gt3A_1374, %add3A_1378, %select_n3A_1106 : vector<64x128xi1>, vector<64x128xi32>
      %select_n3A_1380 = arith.select %gt3A_1374, %add3A_1373, %select_n3A_1107 : vector<64x128xi1>, vector<64x128xf32>
      %scan3A_1381 = arith.constant 5 : i32
      %scan3A_1382 = arith.addi %scan3A_26, %scan3A_1381 : i32
      %mul3A_1383 = arith.constant 128 : i32
      %mul3A_1384 = arith.muli %scan3A_1382, %mul3A_1383 : i32
      %add3A_1385 = vector.broadcast %mul3A_1384 : i32 to vector<64x128xi32>
      %add3A_1386 = arith.addi %add3A_8, %add3A_1385 : vector<64x128xi32>
      %broadcast_in_dim3A_1387 = arith.constant 0 : i32
      %broadcast_in_dim3A_1388 = vector.broadcast %broadcast_in_dim3A_1387 : i32 to vector<64x128xi32>
      %threefry2x323A_1389 = arith.constant 0 : i32
      %threefry2x323A_1390 = arith.constant 2 : i32
      "tpu.trace_start"() <{level = 10 : i32, message = "threefry2x32"}> : () -> ()
      %threefry2x323A_1391 = arith.xori %threefry2x323A_1389, %threefry2x323A_1390 : i32
      %threefry2x323A_1392 = arith.constant 466688986 : i32
      %threefry2x323A_1393 = arith.xori %threefry2x323A_1391, %threefry2x323A_1392 : i32
      %threefry2x323A_1394 = vector.broadcast %threefry2x323A_1389 : i32 to vector<64x128xi32>
      %threefry2x323A_1395 = arith.addi %broadcast_in_dim3A_1388, %threefry2x323A_1394 : vector<64x128xi32>
      %threefry2x323A_1396 = vector.broadcast %threefry2x323A_1390 : i32 to vector<64x128xi32>
      %threefry2x323A_1397 = arith.addi %add3A_1386, %threefry2x323A_1396 : vector<64x128xi32>
      %threefry2x323A_1398 = arith.addi %threefry2x323A_1395, %threefry2x323A_1397 : vector<64x128xi32>
      %threefry2x323A_1399 = arith.constant 13 : i32
      %threefry2x323A_1400 = vector.broadcast %threefry2x323A_1399 : i32 to vector<64x128xi32>
      %threefry2x323A_1401 = arith.shli %threefry2x323A_1397, %threefry2x323A_1400 : vector<64x128xi32>
      %threefry2x323A_1402 = arith.constant 19 : i32
      %threefry2x323A_1403 = vector.broadcast %threefry2x323A_1402 : i32 to vector<64x128xi32>
      %threefry2x323A_1404 = arith.shrui %threefry2x323A_1397, %threefry2x323A_1403 : vector<64x128xi32>
      %threefry2x323A_1405 = arith.ori %threefry2x323A_1401, %threefry2x323A_1404 : vector<64x128xi32>
      %threefry2x323A_1406 = arith.xori %threefry2x323A_1398, %threefry2x323A_1405 : vector<64x128xi32>
      %threefry2x323A_1407 = arith.addi %threefry2x323A_1398, %threefry2x323A_1406 : vector<64x128xi32>
      %threefry2x323A_1408 = arith.constant 15 : i32
      %threefry2x323A_1409 = vector.broadcast %threefry2x323A_1408 : i32 to vector<64x128xi32>
      %threefry2x323A_1410 = arith.shli %threefry2x323A_1406, %threefry2x323A_1409 : vector<64x128xi32>
      %threefry2x323A_1411 = arith.constant 17 : i32
      %threefry2x323A_1412 = vector.broadcast %threefry2x323A_1411 : i32 to vector<64x128xi32>
      %threefry2x323A_1413 = arith.shrui %threefry2x323A_1406, %threefry2x323A_1412 : vector<64x128xi32>
      %threefry2x323A_1414 = arith.ori %threefry2x323A_1410, %threefry2x323A_1413 : vector<64x128xi32>
      %threefry2x323A_1415 = arith.xori %threefry2x323A_1407, %threefry2x323A_1414 : vector<64x128xi32>
      %threefry2x323A_1416 = arith.addi %threefry2x323A_1407, %threefry2x323A_1415 : vector<64x128xi32>
      %threefry2x323A_1417 = arith.constant 26 : i32
      %threefry2x323A_1418 = vector.broadcast %threefry2x323A_1417 : i32 to vector<64x128xi32>
      %threefry2x323A_1419 = arith.shli %threefry2x323A_1415, %threefry2x323A_1418 : vector<64x128xi32>
      %threefry2x323A_1420 = arith.constant 6 : i32
      %threefry2x323A_1421 = vector.broadcast %threefry2x323A_1420 : i32 to vector<64x128xi32>
      %threefry2x323A_1422 = arith.shrui %threefry2x323A_1415, %threefry2x323A_1421 : vector<64x128xi32>
      %threefry2x323A_1423 = arith.ori %threefry2x323A_1419, %threefry2x323A_1422 : vector<64x128xi32>
      %threefry2x323A_1424 = arith.xori %threefry2x323A_1416, %threefry2x323A_1423 : vector<64x128xi32>
      %threefry2x323A_1425 = arith.addi %threefry2x323A_1416, %threefry2x323A_1424 : vector<64x128xi32>
      %threefry2x323A_1426 = arith.constant 6 : i32
      %threefry2x323A_1427 = vector.broadcast %threefry2x323A_1426 : i32 to vector<64x128xi32>
      %threefry2x323A_1428 = arith.shli %threefry2x323A_1424, %threefry2x323A_1427 : vector<64x128xi32>
      %threefry2x323A_1429 = arith.constant 26 : i32
      %threefry2x323A_1430 = vector.broadcast %threefry2x323A_1429 : i32 to vector<64x128xi32>
      %threefry2x323A_1431 = arith.shrui %threefry2x323A_1424, %threefry2x323A_1430 : vector<64x128xi32>
      %threefry2x323A_1432 = arith.ori %threefry2x323A_1428, %threefry2x323A_1431 : vector<64x128xi32>
      %threefry2x323A_1433 = arith.xori %threefry2x323A_1425, %threefry2x323A_1432 : vector<64x128xi32>
      %threefry2x323A_1434 = vector.broadcast %threefry2x323A_1390 : i32 to vector<64x128xi32>
      %threefry2x323A_1435 = arith.addi %threefry2x323A_1425, %threefry2x323A_1434 : vector<64x128xi32>
      %threefry2x323A_1436 = vector.broadcast %threefry2x323A_1393 : i32 to vector<64x128xi32>
      %threefry2x323A_1437 = arith.addi %threefry2x323A_1433, %threefry2x323A_1436 : vector<64x128xi32>
      %threefry2x323A_1438 = arith.constant 1 : i32
      %threefry2x323A_1439 = vector.broadcast %threefry2x323A_1438 : i32 to vector<64x128xi32>
      %threefry2x323A_1440 = arith.addi %threefry2x323A_1437, %threefry2x323A_1439 : vector<64x128xi32>
      %threefry2x323A_1441 = arith.addi %threefry2x323A_1435, %threefry2x323A_1440 : vector<64x128xi32>
      %threefry2x323A_1442 = arith.constant 17 : i32
      %threefry2x323A_1443 = vector.broadcast %threefry2x323A_1442 : i32 to vector<64x128xi32>
      %threefry2x323A_1444 = arith.shli %threefry2x323A_1440, %threefry2x323A_1443 : vector<64x128xi32>
      %threefry2x323A_1445 = arith.constant 15 : i32
      %threefry2x323A_1446 = vector.broadcast %threefry2x323A_1445 : i32 to vector<64x128xi32>
      %threefry2x323A_1447 = arith.shrui %threefry2x323A_1440, %threefry2x323A_1446 : vector<64x128xi32>
      %threefry2x323A_1448 = arith.ori %threefry2x323A_1444, %threefry2x323A_1447 : vector<64x128xi32>
      %threefry2x323A_1449 = arith.xori %threefry2x323A_1441, %threefry2x323A_1448 : vector<64x128xi32>
      %threefry2x323A_1450 = arith.addi %threefry2x323A_1441, %threefry2x323A_1449 : vector<64x128xi32>
      %threefry2x323A_1451 = arith.constant 29 : i32
      %threefry2x323A_1452 = vector.broadcast %threefry2x323A_1451 : i32 to vector<64x128xi32>
      %threefry2x323A_1453 = arith.shli %threefry2x323A_1449, %threefry2x323A_1452 : vector<64x128xi32>
      %threefry2x323A_1454 = arith.constant 3 : i32
      %threefry2x323A_1455 = vector.broadcast %threefry2x323A_1454 : i32 to vector<64x128xi32>
      %threefry2x323A_1456 = arith.shrui %threefry2x323A_1449, %threefry2x323A_1455 : vector<64x128xi32>
      %threefry2x323A_1457 = arith.ori %threefry2x323A_1453, %threefry2x323A_1456 : vector<64x128xi32>
      %threefry2x323A_1458 = arith.xori %threefry2x323A_1450, %threefry2x323A_1457 : vector<64x128xi32>
      %threefry2x323A_1459 = arith.addi %threefry2x323A_1450, %threefry2x323A_1458 : vector<64x128xi32>
      %threefry2x323A_1460 = arith.constant 16 : i32
      %threefry2x323A_1461 = vector.broadcast %threefry2x323A_1460 : i32 to vector<64x128xi32>
      %threefry2x323A_1462 = arith.shli %threefry2x323A_1458, %threefry2x323A_1461 : vector<64x128xi32>
      %threefry2x323A_1463 = arith.constant 16 : i32
      %threefry2x323A_1464 = vector.broadcast %threefry2x323A_1463 : i32 to vector<64x128xi32>
      %threefry2x323A_1465 = arith.shrui %threefry2x323A_1458, %threefry2x323A_1464 : vector<64x128xi32>
      %threefry2x323A_1466 = arith.ori %threefry2x323A_1462, %threefry2x323A_1465 : vector<64x128xi32>
      %threefry2x323A_1467 = arith.xori %threefry2x323A_1459, %threefry2x323A_1466 : vector<64x128xi32>
      %threefry2x323A_1468 = arith.addi %threefry2x323A_1459, %threefry2x323A_1467 : vector<64x128xi32>
      %threefry2x323A_1469 = arith.constant 24 : i32
      %threefry2x323A_1470 = vector.broadcast %threefry2x323A_1469 : i32 to vector<64x128xi32>
      %threefry2x323A_1471 = arith.shli %threefry2x323A_1467, %threefry2x323A_1470 : vector<64x128xi32>
      %threefry2x323A_1472 = arith.constant 8 : i32
      %threefry2x323A_1473 = vector.broadcast %threefry2x323A_1472 : i32 to vector<64x128xi32>
      %threefry2x323A_1474 = arith.shrui %threefry2x323A_1467, %threefry2x323A_1473 : vector<64x128xi32>
      %threefry2x323A_1475 = arith.ori %threefry2x323A_1471, %threefry2x323A_1474 : vector<64x128xi32>
      %threefry2x323A_1476 = arith.xori %threefry2x323A_1468, %threefry2x323A_1475 : vector<64x128xi32>
      %threefry2x323A_1477 = vector.broadcast %threefry2x323A_1393 : i32 to vector<64x128xi32>
      %threefry2x323A_1478 = arith.addi %threefry2x323A_1468, %threefry2x323A_1477 : vector<64x128xi32>
      %threefry2x323A_1479 = vector.broadcast %threefry2x323A_1389 : i32 to vector<64x128xi32>
      %threefry2x323A_1480 = arith.addi %threefry2x323A_1476, %threefry2x323A_1479 : vector<64x128xi32>
      %threefry2x323A_1481 = arith.constant 2 : i32
      %threefry2x323A_1482 = vector.broadcast %threefry2x323A_1481 : i32 to vector<64x128xi32>
      %threefry2x323A_1483 = arith.addi %threefry2x323A_1480, %threefry2x323A_1482 : vector<64x128xi32>
      %threefry2x323A_1484 = arith.addi %threefry2x323A_1478, %threefry2x323A_1483 : vector<64x128xi32>
      %threefry2x323A_1485 = arith.constant 13 : i32
      %threefry2x323A_1486 = vector.broadcast %threefry2x323A_1485 : i32 to vector<64x128xi32>
      %threefry2x323A_1487 = arith.shli %threefry2x323A_1483, %threefry2x323A_1486 : vector<64x128xi32>
      %threefry2x323A_1488 = arith.constant 19 : i32
      %threefry2x323A_1489 = vector.broadcast %threefry2x323A_1488 : i32 to vector<64x128xi32>
      %threefry2x323A_1490 = arith.shrui %threefry2x323A_1483, %threefry2x323A_1489 : vector<64x128xi32>
      %threefry2x323A_1491 = arith.ori %threefry2x323A_1487, %threefry2x323A_1490 : vector<64x128xi32>
      %threefry2x323A_1492 = arith.xori %threefry2x323A_1484, %threefry2x323A_1491 : vector<64x128xi32>
      %threefry2x323A_1493 = arith.addi %threefry2x323A_1484, %threefry2x323A_1492 : vector<64x128xi32>
      %threefry2x323A_1494 = arith.constant 15 : i32
      %threefry2x323A_1495 = vector.broadcast %threefry2x323A_1494 : i32 to vector<64x128xi32>
      %threefry2x323A_1496 = arith.shli %threefry2x323A_1492, %threefry2x323A_1495 : vector<64x128xi32>
      %threefry2x323A_1497 = arith.constant 17 : i32
      %threefry2x323A_1498 = vector.broadcast %threefry2x323A_1497 : i32 to vector<64x128xi32>
      %threefry2x323A_1499 = arith.shrui %threefry2x323A_1492, %threefry2x323A_1498 : vector<64x128xi32>
      %threefry2x323A_1500 = arith.ori %threefry2x323A_1496, %threefry2x323A_1499 : vector<64x128xi32>
      %threefry2x323A_1501 = arith.xori %threefry2x323A_1493, %threefry2x323A_1500 : vector<64x128xi32>
      %threefry2x323A_1502 = arith.addi %threefry2x323A_1493, %threefry2x323A_1501 : vector<64x128xi32>
      %threefry2x323A_1503 = arith.constant 26 : i32
      %threefry2x323A_1504 = vector.broadcast %threefry2x323A_1503 : i32 to vector<64x128xi32>
      %threefry2x323A_1505 = arith.shli %threefry2x323A_1501, %threefry2x323A_1504 : vector<64x128xi32>
      %threefry2x323A_1506 = arith.constant 6 : i32
      %threefry2x323A_1507 = vector.broadcast %threefry2x323A_1506 : i32 to vector<64x128xi32>
      %threefry2x323A_1508 = arith.shrui %threefry2x323A_1501, %threefry2x323A_1507 : vector<64x128xi32>
      %threefry2x323A_1509 = arith.ori %threefry2x323A_1505, %threefry2x323A_1508 : vector<64x128xi32>
      %threefry2x323A_1510 = arith.xori %threefry2x323A_1502, %threefry2x323A_1509 : vector<64x128xi32>
      %threefry2x323A_1511 = arith.addi %threefry2x323A_1502, %threefry2x323A_1510 : vector<64x128xi32>
      %threefry2x323A_1512 = arith.constant 6 : i32
      %threefry2x323A_1513 = vector.broadcast %threefry2x323A_1512 : i32 to vector<64x128xi32>
      %threefry2x323A_1514 = arith.shli %threefry2x323A_1510, %threefry2x323A_1513 : vector<64x128xi32>
      %threefry2x323A_1515 = arith.constant 26 : i32
      %threefry2x323A_1516 = vector.broadcast %threefry2x323A_1515 : i32 to vector<64x128xi32>
      %threefry2x323A_1517 = arith.shrui %threefry2x323A_1510, %threefry2x323A_1516 : vector<64x128xi32>
      %threefry2x323A_1518 = arith.ori %threefry2x323A_1514, %threefry2x323A_1517 : vector<64x128xi32>
      %threefry2x323A_1519 = arith.xori %threefry2x323A_1511, %threefry2x323A_1518 : vector<64x128xi32>
      %threefry2x323A_1520 = vector.broadcast %threefry2x323A_1389 : i32 to vector<64x128xi32>
      %threefry2x323A_1521 = arith.addi %threefry2x323A_1511, %threefry2x323A_1520 : vector<64x128xi32>
      %threefry2x323A_1522 = vector.broadcast %threefry2x323A_1390 : i32 to vector<64x128xi32>
      %threefry2x323A_1523 = arith.addi %threefry2x323A_1519, %threefry2x323A_1522 : vector<64x128xi32>
      %threefry2x323A_1524 = arith.constant 3 : i32
      %threefry2x323A_1525 = vector.broadcast %threefry2x323A_1524 : i32 to vector<64x128xi32>
      %threefry2x323A_1526 = arith.addi %threefry2x323A_1523, %threefry2x323A_1525 : vector<64x128xi32>
      %threefry2x323A_1527 = arith.addi %threefry2x323A_1521, %threefry2x323A_1526 : vector<64x128xi32>
      %threefry2x323A_1528 = arith.constant 17 : i32
      %threefry2x323A_1529 = vector.broadcast %threefry2x323A_1528 : i32 to vector<64x128xi32>
      %threefry2x323A_1530 = arith.shli %threefry2x323A_1526, %threefry2x323A_1529 : vector<64x128xi32>
      %threefry2x323A_1531 = arith.constant 15 : i32
      %threefry2x323A_1532 = vector.broadcast %threefry2x323A_1531 : i32 to vector<64x128xi32>
      %threefry2x323A_1533 = arith.shrui %threefry2x323A_1526, %threefry2x323A_1532 : vector<64x128xi32>
      %threefry2x323A_1534 = arith.ori %threefry2x323A_1530, %threefry2x323A_1533 : vector<64x128xi32>
      %threefry2x323A_1535 = arith.xori %threefry2x323A_1527, %threefry2x323A_1534 : vector<64x128xi32>
      %threefry2x323A_1536 = arith.addi %threefry2x323A_1527, %threefry2x323A_1535 : vector<64x128xi32>
      %threefry2x323A_1537 = arith.constant 29 : i32
      %threefry2x323A_1538 = vector.broadcast %threefry2x323A_1537 : i32 to vector<64x128xi32>
      %threefry2x323A_1539 = arith.shli %threefry2x323A_1535, %threefry2x323A_1538 : vector<64x128xi32>
      %threefry2x323A_1540 = arith.constant 3 : i32
      %threefry2x323A_1541 = vector.broadcast %threefry2x323A_1540 : i32 to vector<64x128xi32>
      %threefry2x323A_1542 = arith.shrui %threefry2x323A_1535, %threefry2x323A_1541 : vector<64x128xi32>
      %threefry2x323A_1543 = arith.ori %threefry2x323A_1539, %threefry2x323A_1542 : vector<64x128xi32>
      %threefry2x323A_1544 = arith.xori %threefry2x323A_1536, %threefry2x323A_1543 : vector<64x128xi32>
      %threefry2x323A_1545 = arith.addi %threefry2x323A_1536, %threefry2x323A_1544 : vector<64x128xi32>
      %threefry2x323A_1546 = arith.constant 16 : i32
      %threefry2x323A_1547 = vector.broadcast %threefry2x323A_1546 : i32 to vector<64x128xi32>
      %threefry2x323A_1548 = arith.shli %threefry2x323A_1544, %threefry2x323A_1547 : vector<64x128xi32>
      %threefry2x323A_1549 = arith.constant 16 : i32
      %threefry2x323A_1550 = vector.broadcast %threefry2x323A_1549 : i32 to vector<64x128xi32>
      %threefry2x323A_1551 = arith.shrui %threefry2x323A_1544, %threefry2x323A_1550 : vector<64x128xi32>
      %threefry2x323A_1552 = arith.ori %threefry2x323A_1548, %threefry2x323A_1551 : vector<64x128xi32>
      %threefry2x323A_1553 = arith.xori %threefry2x323A_1545, %threefry2x323A_1552 : vector<64x128xi32>
      %threefry2x323A_1554 = arith.addi %threefry2x323A_1545, %threefry2x323A_1553 : vector<64x128xi32>
      %threefry2x323A_1555 = arith.constant 24 : i32
      %threefry2x323A_1556 = vector.broadcast %threefry2x323A_1555 : i32 to vector<64x128xi32>
      %threefry2x323A_1557 = arith.shli %threefry2x323A_1553, %threefry2x323A_1556 : vector<64x128xi32>
      %threefry2x323A_1558 = arith.constant 8 : i32
      %threefry2x323A_1559 = vector.broadcast %threefry2x323A_1558 : i32 to vector<64x128xi32>
      %threefry2x323A_1560 = arith.shrui %threefry2x323A_1553, %threefry2x323A_1559 : vector<64x128xi32>
      %threefry2x323A_1561 = arith.ori %threefry2x323A_1557, %threefry2x323A_1560 : vector<64x128xi32>
      %threefry2x323A_1562 = arith.xori %threefry2x323A_1554, %threefry2x323A_1561 : vector<64x128xi32>
      %threefry2x323A_1563 = vector.broadcast %threefry2x323A_1390 : i32 to vector<64x128xi32>
      %threefry2x323A_1564 = arith.addi %threefry2x323A_1554, %threefry2x323A_1563 : vector<64x128xi32>
      %threefry2x323A_1565 = vector.broadcast %threefry2x323A_1393 : i32 to vector<64x128xi32>
      %threefry2x323A_1566 = arith.addi %threefry2x323A_1562, %threefry2x323A_1565 : vector<64x128xi32>
      %threefry2x323A_1567 = arith.constant 4 : i32
      %threefry2x323A_1568 = vector.broadcast %threefry2x323A_1567 : i32 to vector<64x128xi32>
      %threefry2x323A_1569 = arith.addi %threefry2x323A_1566, %threefry2x323A_1568 : vector<64x128xi32>
      %threefry2x323A_1570 = arith.addi %threefry2x323A_1564, %threefry2x323A_1569 : vector<64x128xi32>
      %threefry2x323A_1571 = arith.constant 13 : i32
      %threefry2x323A_1572 = vector.broadcast %threefry2x323A_1571 : i32 to vector<64x128xi32>
      %threefry2x323A_1573 = arith.shli %threefry2x323A_1569, %threefry2x323A_1572 : vector<64x128xi32>
      %threefry2x323A_1574 = arith.constant 19 : i32
      %threefry2x323A_1575 = vector.broadcast %threefry2x323A_1574 : i32 to vector<64x128xi32>
      %threefry2x323A_1576 = arith.shrui %threefry2x323A_1569, %threefry2x323A_1575 : vector<64x128xi32>
      %threefry2x323A_1577 = arith.ori %threefry2x323A_1573, %threefry2x323A_1576 : vector<64x128xi32>
      %threefry2x323A_1578 = arith.xori %threefry2x323A_1570, %threefry2x323A_1577 : vector<64x128xi32>
      %threefry2x323A_1579 = arith.addi %threefry2x323A_1570, %threefry2x323A_1578 : vector<64x128xi32>
      %threefry2x323A_1580 = arith.constant 15 : i32
      %threefry2x323A_1581 = vector.broadcast %threefry2x323A_1580 : i32 to vector<64x128xi32>
      %threefry2x323A_1582 = arith.shli %threefry2x323A_1578, %threefry2x323A_1581 : vector<64x128xi32>
      %threefry2x323A_1583 = arith.constant 17 : i32
      %threefry2x323A_1584 = vector.broadcast %threefry2x323A_1583 : i32 to vector<64x128xi32>
      %threefry2x323A_1585 = arith.shrui %threefry2x323A_1578, %threefry2x323A_1584 : vector<64x128xi32>
      %threefry2x323A_1586 = arith.ori %threefry2x323A_1582, %threefry2x323A_1585 : vector<64x128xi32>
      %threefry2x323A_1587 = arith.xori %threefry2x323A_1579, %threefry2x323A_1586 : vector<64x128xi32>
      %threefry2x323A_1588 = arith.addi %threefry2x323A_1579, %threefry2x323A_1587 : vector<64x128xi32>
      %threefry2x323A_1589 = arith.constant 26 : i32
      %threefry2x323A_1590 = vector.broadcast %threefry2x323A_1589 : i32 to vector<64x128xi32>
      %threefry2x323A_1591 = arith.shli %threefry2x323A_1587, %threefry2x323A_1590 : vector<64x128xi32>
      %threefry2x323A_1592 = arith.constant 6 : i32
      %threefry2x323A_1593 = vector.broadcast %threefry2x323A_1592 : i32 to vector<64x128xi32>
      %threefry2x323A_1594 = arith.shrui %threefry2x323A_1587, %threefry2x323A_1593 : vector<64x128xi32>
      %threefry2x323A_1595 = arith.ori %threefry2x323A_1591, %threefry2x323A_1594 : vector<64x128xi32>
      %threefry2x323A_1596 = arith.xori %threefry2x323A_1588, %threefry2x323A_1595 : vector<64x128xi32>
      %threefry2x323A_1597 = arith.addi %threefry2x323A_1588, %threefry2x323A_1596 : vector<64x128xi32>
      %threefry2x323A_1598 = arith.constant 6 : i32
      %threefry2x323A_1599 = vector.broadcast %threefry2x323A_1598 : i32 to vector<64x128xi32>
      %threefry2x323A_1600 = arith.shli %threefry2x323A_1596, %threefry2x323A_1599 : vector<64x128xi32>
      %threefry2x323A_1601 = arith.constant 26 : i32
      %threefry2x323A_1602 = vector.broadcast %threefry2x323A_1601 : i32 to vector<64x128xi32>
      %threefry2x323A_1603 = arith.shrui %threefry2x323A_1596, %threefry2x323A_1602 : vector<64x128xi32>
      %threefry2x323A_1604 = arith.ori %threefry2x323A_1600, %threefry2x323A_1603 : vector<64x128xi32>
      %threefry2x323A_1605 = arith.xori %threefry2x323A_1597, %threefry2x323A_1604 : vector<64x128xi32>
      %threefry2x323A_1606 = vector.broadcast %threefry2x323A_1393 : i32 to vector<64x128xi32>
      %threefry2x323A_1607 = arith.addi %threefry2x323A_1597, %threefry2x323A_1606 : vector<64x128xi32>
      %threefry2x323A_1608 = vector.broadcast %threefry2x323A_1389 : i32 to vector<64x128xi32>
      %threefry2x323A_1609 = arith.addi %threefry2x323A_1605, %threefry2x323A_1608 : vector<64x128xi32>
      %threefry2x323A_1610 = arith.constant 5 : i32
      %threefry2x323A_1611 = vector.broadcast %threefry2x323A_1610 : i32 to vector<64x128xi32>
      %threefry2x323A_1612 = arith.addi %threefry2x323A_1609, %threefry2x323A_1611 : vector<64x128xi32>
      "tpu.trace_stop"() : () -> ()
      %xor3A_1613 = arith.xori %threefry2x323A_1607, %threefry2x323A_1612 : vector<64x128xi32>
      %shift_right_logical3A_1614 = arith.constant 9 : i32
      %shift_right_logical3A_1615 = vector.broadcast %shift_right_logical3A_1614 : i32 to vector<64x128xi32>
      %shift_right_logical3A_1616 = arith.shrui %xor3A_1613, %shift_right_logical3A_1615 : vector<64x128xi32>
      %or3A_1617 = arith.constant 1065353216 : i32
      %or3A_1618 = vector.broadcast %or3A_1617 : i32 to vector<64x128xi32>
      %or3A_1619 = arith.ori %shift_right_logical3A_1616, %or3A_1618 : vector<64x128xi32>
      %bitcast_convert_type3A_1620 = tpu.bitcast %or3A_1619 : vector<64x128xi32> -> vector<64x128xf32>
      %sub3A_1621 = arith.constant 1.000000e+00 : f32
      %sub3A_1622 = vector.broadcast %sub3A_1621 : f32 to vector<64x128xf32>
      %sub3A_1623 = arith.subf %bitcast_convert_type3A_1620, %sub3A_1622 : vector<64x128xf32>
      %mul3A_1624 = arith.constant 1.000000e+00 : f32
      %mul3A_1625 = vector.broadcast %mul3A_1624 : f32 to vector<64x128xf32>
      %mul3A_1626 = arith.mulf %sub3A_1623, %mul3A_1625 : vector<64x128xf32>
      %add3A_1627 = arith.constant 1.17549435E-38 : f32
      %add3A_1628 = vector.broadcast %add3A_1627 : f32 to vector<64x128xf32>
      %add3A_1629 = arith.addf %mul3A_1626, %add3A_1628 : vector<64x128xf32>
      %max3A_1630 = arith.constant 1.17549435E-38 : f32
      %max3A_1631 = vector.broadcast %max3A_1630 : f32 to vector<64x128xf32>
      %max3A_1632 = arith.maximumf %max3A_1631, %add3A_1629 : vector<64x128xf32>
      %mul3A_1633 = arith.constant 128 : i32
      %mul3A_1634 = arith.muli %scan3A_1382, %mul3A_1633 : i32
      %get3A_1635 = arith.constant 0 : index
      %get3A_1636 = arith.index_cast %mul3A_1634 : i32 to index
      %get3A_1637 = vector.load %arg3[%get3A_1635, %get3A_1636] : memref<64x8192xf32, #tpu.memory_space<vmem>>, vector<64x128xf32>
      %log3A_1638 = math.log %max3A_1632 : vector<64x128xf32>
      %neg3A_1639 = arith.constant 0.000000e+00 : f32
      %neg3A_1640 = vector.broadcast %neg3A_1639 : f32 to vector<64x128xf32>
      %neg3A_1641 = arith.subf %neg3A_1640, %log3A_1638 : vector<64x128xf32>
      %log3A_1642 = math.log %neg3A_1641 : vector<64x128xf32>
      %neg3A_1643 = arith.constant 0.000000e+00 : f32
      %neg3A_1644 = vector.broadcast %neg3A_1643 : f32 to vector<64x128xf32>
      %neg3A_1645 = arith.subf %neg3A_1644, %log3A_1642 : vector<64x128xf32>
      %add3A_1646 = arith.addf %neg3A_1645, %get3A_1637 : vector<64x128xf32>
      %gt3A_1647 = arith.cmpf ogt, %add3A_1646, %select_n3A_1380 : vector<64x128xf32>
      %mul3A_1648 = arith.constant 128 : i32
      %mul3A_1649 = arith.muli %scan3A_1382, %mul3A_1648 : i32
      %add3A_1650 = vector.broadcast %mul3A_1649 : i32 to vector<64x128xi32>
      %add3A_1651 = arith.addi %add3A_1650, %iota3A_2 : vector<64x128xi32>
      %select_n3A_1652 = arith.select %gt3A_1647, %add3A_1651, %select_n3A_1379 : vector<64x128xi1>, vector<64x128xi32>
      %select_n3A_1653 = arith.select %gt3A_1647, %add3A_1646, %select_n3A_1380 : vector<64x128xi1>, vector<64x128xf32>
      %scan3A_1654 = arith.constant 6 : i32
      %scan3A_1655 = arith.addi %scan3A_26, %scan3A_1654 : i32
      %mul3A_1656 = arith.constant 128 : i32
      %mul3A_1657 = arith.muli %scan3A_1655, %mul3A_1656 : i32
      %add3A_1658 = vector.broadcast %mul3A_1657 : i32 to vector<64x128xi32>
      %add3A_1659 = arith.addi %add3A_8, %add3A_1658 : vector<64x128xi32>
      %broadcast_in_dim3A_1660 = arith.constant 0 : i32
      %broadcast_in_dim3A_1661 = vector.broadcast %broadcast_in_dim3A_1660 : i32 to vector<64x128xi32>
      %threefry2x323A_1662 = arith.constant 0 : i32
      %threefry2x323A_1663 = arith.constant 2 : i32
      "tpu.trace_start"() <{level = 10 : i32, message = "threefry2x32"}> : () -> ()
      %threefry2x323A_1664 = arith.xori %threefry2x323A_1662, %threefry2x323A_1663 : i32
      %threefry2x323A_1665 = arith.constant 466688986 : i32
      %threefry2x323A_1666 = arith.xori %threefry2x323A_1664, %threefry2x323A_1665 : i32
      %threefry2x323A_1667 = vector.broadcast %threefry2x323A_1662 : i32 to vector<64x128xi32>
      %threefry2x323A_1668 = arith.addi %broadcast_in_dim3A_1661, %threefry2x323A_1667 : vector<64x128xi32>
      %threefry2x323A_1669 = vector.broadcast %threefry2x323A_1663 : i32 to vector<64x128xi32>
      %threefry2x323A_1670 = arith.addi %add3A_1659, %threefry2x323A_1669 : vector<64x128xi32>
      %threefry2x323A_1671 = arith.addi %threefry2x323A_1668, %threefry2x323A_1670 : vector<64x128xi32>
      %threefry2x323A_1672 = arith.constant 13 : i32
      %threefry2x323A_1673 = vector.broadcast %threefry2x323A_1672 : i32 to vector<64x128xi32>
      %threefry2x323A_1674 = arith.shli %threefry2x323A_1670, %threefry2x323A_1673 : vector<64x128xi32>
      %threefry2x323A_1675 = arith.constant 19 : i32
      %threefry2x323A_1676 = vector.broadcast %threefry2x323A_1675 : i32 to vector<64x128xi32>
      %threefry2x323A_1677 = arith.shrui %threefry2x323A_1670, %threefry2x323A_1676 : vector<64x128xi32>
      %threefry2x323A_1678 = arith.ori %threefry2x323A_1674, %threefry2x323A_1677 : vector<64x128xi32>
      %threefry2x323A_1679 = arith.xori %threefry2x323A_1671, %threefry2x323A_1678 : vector<64x128xi32>
      %threefry2x323A_1680 = arith.addi %threefry2x323A_1671, %threefry2x323A_1679 : vector<64x128xi32>
      %threefry2x323A_1681 = arith.constant 15 : i32
      %threefry2x323A_1682 = vector.broadcast %threefry2x323A_1681 : i32 to vector<64x128xi32>
      %threefry2x323A_1683 = arith.shli %threefry2x323A_1679, %threefry2x323A_1682 : vector<64x128xi32>
      %threefry2x323A_1684 = arith.constant 17 : i32
      %threefry2x323A_1685 = vector.broadcast %threefry2x323A_1684 : i32 to vector<64x128xi32>
      %threefry2x323A_1686 = arith.shrui %threefry2x323A_1679, %threefry2x323A_1685 : vector<64x128xi32>
      %threefry2x323A_1687 = arith.ori %threefry2x323A_1683, %threefry2x323A_1686 : vector<64x128xi32>
      %threefry2x323A_1688 = arith.xori %threefry2x323A_1680, %threefry2x323A_1687 : vector<64x128xi32>
      %threefry2x323A_1689 = arith.addi %threefry2x323A_1680, %threefry2x323A_1688 : vector<64x128xi32>
      %threefry2x323A_1690 = arith.constant 26 : i32
      %threefry2x323A_1691 = vector.broadcast %threefry2x323A_1690 : i32 to vector<64x128xi32>
      %threefry2x323A_1692 = arith.shli %threefry2x323A_1688, %threefry2x323A_1691 : vector<64x128xi32>
      %threefry2x323A_1693 = arith.constant 6 : i32
      %threefry2x323A_1694 = vector.broadcast %threefry2x323A_1693 : i32 to vector<64x128xi32>
      %threefry2x323A_1695 = arith.shrui %threefry2x323A_1688, %threefry2x323A_1694 : vector<64x128xi32>
      %threefry2x323A_1696 = arith.ori %threefry2x323A_1692, %threefry2x323A_1695 : vector<64x128xi32>
      %threefry2x323A_1697 = arith.xori %threefry2x323A_1689, %threefry2x323A_1696 : vector<64x128xi32>
      %threefry2x323A_1698 = arith.addi %threefry2x323A_1689, %threefry2x323A_1697 : vector<64x128xi32>
      %threefry2x323A_1699 = arith.constant 6 : i32
      %threefry2x323A_1700 = vector.broadcast %threefry2x323A_1699 : i32 to vector<64x128xi32>
      %threefry2x323A_1701 = arith.shli %threefry2x323A_1697, %threefry2x323A_1700 : vector<64x128xi32>
      %threefry2x323A_1702 = arith.constant 26 : i32
      %threefry2x323A_1703 = vector.broadcast %threefry2x323A_1702 : i32 to vector<64x128xi32>
      %threefry2x323A_1704 = arith.shrui %threefry2x323A_1697, %threefry2x323A_1703 : vector<64x128xi32>
      %threefry2x323A_1705 = arith.ori %threefry2x323A_1701, %threefry2x323A_1704 : vector<64x128xi32>
      %threefry2x323A_1706 = arith.xori %threefry2x323A_1698, %threefry2x323A_1705 : vector<64x128xi32>
      %threefry2x323A_1707 = vector.broadcast %threefry2x323A_1663 : i32 to vector<64x128xi32>
      %threefry2x323A_1708 = arith.addi %threefry2x323A_1698, %threefry2x323A_1707 : vector<64x128xi32>
      %threefry2x323A_1709 = vector.broadcast %threefry2x323A_1666 : i32 to vector<64x128xi32>
      %threefry2x323A_1710 = arith.addi %threefry2x323A_1706, %threefry2x323A_1709 : vector<64x128xi32>
      %threefry2x323A_1711 = arith.constant 1 : i32
      %threefry2x323A_1712 = vector.broadcast %threefry2x323A_1711 : i32 to vector<64x128xi32>
      %threefry2x323A_1713 = arith.addi %threefry2x323A_1710, %threefry2x323A_1712 : vector<64x128xi32>
      %threefry2x323A_1714 = arith.addi %threefry2x323A_1708, %threefry2x323A_1713 : vector<64x128xi32>
      %threefry2x323A_1715 = arith.constant 17 : i32
      %threefry2x323A_1716 = vector.broadcast %threefry2x323A_1715 : i32 to vector<64x128xi32>
      %threefry2x323A_1717 = arith.shli %threefry2x323A_1713, %threefry2x323A_1716 : vector<64x128xi32>
      %threefry2x323A_1718 = arith.constant 15 : i32
      %threefry2x323A_1719 = vector.broadcast %threefry2x323A_1718 : i32 to vector<64x128xi32>
      %threefry2x323A_1720 = arith.shrui %threefry2x323A_1713, %threefry2x323A_1719 : vector<64x128xi32>
      %threefry2x323A_1721 = arith.ori %threefry2x323A_1717, %threefry2x323A_1720 : vector<64x128xi32>
      %threefry2x323A_1722 = arith.xori %threefry2x323A_1714, %threefry2x323A_1721 : vector<64x128xi32>
      %threefry2x323A_1723 = arith.addi %threefry2x323A_1714, %threefry2x323A_1722 : vector<64x128xi32>
      %threefry2x323A_1724 = arith.constant 29 : i32
      %threefry2x323A_1725 = vector.broadcast %threefry2x323A_1724 : i32 to vector<64x128xi32>
      %threefry2x323A_1726 = arith.shli %threefry2x323A_1722, %threefry2x323A_1725 : vector<64x128xi32>
      %threefry2x323A_1727 = arith.constant 3 : i32
      %threefry2x323A_1728 = vector.broadcast %threefry2x323A_1727 : i32 to vector<64x128xi32>
      %threefry2x323A_1729 = arith.shrui %threefry2x323A_1722, %threefry2x323A_1728 : vector<64x128xi32>
      %threefry2x323A_1730 = arith.ori %threefry2x323A_1726, %threefry2x323A_1729 : vector<64x128xi32>
      %threefry2x323A_1731 = arith.xori %threefry2x323A_1723, %threefry2x323A_1730 : vector<64x128xi32>
      %threefry2x323A_1732 = arith.addi %threefry2x323A_1723, %threefry2x323A_1731 : vector<64x128xi32>
      %threefry2x323A_1733 = arith.constant 16 : i32
      %threefry2x323A_1734 = vector.broadcast %threefry2x323A_1733 : i32 to vector<64x128xi32>
      %threefry2x323A_1735 = arith.shli %threefry2x323A_1731, %threefry2x323A_1734 : vector<64x128xi32>
      %threefry2x323A_1736 = arith.constant 16 : i32
      %threefry2x323A_1737 = vector.broadcast %threefry2x323A_1736 : i32 to vector<64x128xi32>
      %threefry2x323A_1738 = arith.shrui %threefry2x323A_1731, %threefry2x323A_1737 : vector<64x128xi32>
      %threefry2x323A_1739 = arith.ori %threefry2x323A_1735, %threefry2x323A_1738 : vector<64x128xi32>
      %threefry2x323A_1740 = arith.xori %threefry2x323A_1732, %threefry2x323A_1739 : vector<64x128xi32>
      %threefry2x323A_1741 = arith.addi %threefry2x323A_1732, %threefry2x323A_1740 : vector<64x128xi32>
      %threefry2x323A_1742 = arith.constant 24 : i32
      %threefry2x323A_1743 = vector.broadcast %threefry2x323A_1742 : i32 to vector<64x128xi32>
      %threefry2x323A_1744 = arith.shli %threefry2x323A_1740, %threefry2x323A_1743 : vector<64x128xi32>
      %threefry2x323A_1745 = arith.constant 8 : i32
      %threefry2x323A_1746 = vector.broadcast %threefry2x323A_1745 : i32 to vector<64x128xi32>
      %threefry2x323A_1747 = arith.shrui %threefry2x323A_1740, %threefry2x323A_1746 : vector<64x128xi32>
      %threefry2x323A_1748 = arith.ori %threefry2x323A_1744, %threefry2x323A_1747 : vector<64x128xi32>
      %threefry2x323A_1749 = arith.xori %threefry2x323A_1741, %threefry2x323A_1748 : vector<64x128xi32>
      %threefry2x323A_1750 = vector.broadcast %threefry2x323A_1666 : i32 to vector<64x128xi32>
      %threefry2x323A_1751 = arith.addi %threefry2x323A_1741, %threefry2x323A_1750 : vector<64x128xi32>
      %threefry2x323A_1752 = vector.broadcast %threefry2x323A_1662 : i32 to vector<64x128xi32>
      %threefry2x323A_1753 = arith.addi %threefry2x323A_1749, %threefry2x323A_1752 : vector<64x128xi32>
      %threefry2x323A_1754 = arith.constant 2 : i32
      %threefry2x323A_1755 = vector.broadcast %threefry2x323A_1754 : i32 to vector<64x128xi32>
      %threefry2x323A_1756 = arith.addi %threefry2x323A_1753, %threefry2x323A_1755 : vector<64x128xi32>
      %threefry2x323A_1757 = arith.addi %threefry2x323A_1751, %threefry2x323A_1756 : vector<64x128xi32>
      %threefry2x323A_1758 = arith.constant 13 : i32
      %threefry2x323A_1759 = vector.broadcast %threefry2x323A_1758 : i32 to vector<64x128xi32>
      %threefry2x323A_1760 = arith.shli %threefry2x323A_1756, %threefry2x323A_1759 : vector<64x128xi32>
      %threefry2x323A_1761 = arith.constant 19 : i32
      %threefry2x323A_1762 = vector.broadcast %threefry2x323A_1761 : i32 to vector<64x128xi32>
      %threefry2x323A_1763 = arith.shrui %threefry2x323A_1756, %threefry2x323A_1762 : vector<64x128xi32>
      %threefry2x323A_1764 = arith.ori %threefry2x323A_1760, %threefry2x323A_1763 : vector<64x128xi32>
      %threefry2x323A_1765 = arith.xori %threefry2x323A_1757, %threefry2x323A_1764 : vector<64x128xi32>
      %threefry2x323A_1766 = arith.addi %threefry2x323A_1757, %threefry2x323A_1765 : vector<64x128xi32>
      %threefry2x323A_1767 = arith.constant 15 : i32
      %threefry2x323A_1768 = vector.broadcast %threefry2x323A_1767 : i32 to vector<64x128xi32>
      %threefry2x323A_1769 = arith.shli %threefry2x323A_1765, %threefry2x323A_1768 : vector<64x128xi32>
      %threefry2x323A_1770 = arith.constant 17 : i32
      %threefry2x323A_1771 = vector.broadcast %threefry2x323A_1770 : i32 to vector<64x128xi32>
      %threefry2x323A_1772 = arith.shrui %threefry2x323A_1765, %threefry2x323A_1771 : vector<64x128xi32>
      %threefry2x323A_1773 = arith.ori %threefry2x323A_1769, %threefry2x323A_1772 : vector<64x128xi32>
      %threefry2x323A_1774 = arith.xori %threefry2x323A_1766, %threefry2x323A_1773 : vector<64x128xi32>
      %threefry2x323A_1775 = arith.addi %threefry2x323A_1766, %threefry2x323A_1774 : vector<64x128xi32>
      %threefry2x323A_1776 = arith.constant 26 : i32
      %threefry2x323A_1777 = vector.broadcast %threefry2x323A_1776 : i32 to vector<64x128xi32>
      %threefry2x323A_1778 = arith.shli %threefry2x323A_1774, %threefry2x323A_1777 : vector<64x128xi32>
      %threefry2x323A_1779 = arith.constant 6 : i32
      %threefry2x323A_1780 = vector.broadcast %threefry2x323A_1779 : i32 to vector<64x128xi32>
      %threefry2x323A_1781 = arith.shrui %threefry2x323A_1774, %threefry2x323A_1780 : vector<64x128xi32>
      %threefry2x323A_1782 = arith.ori %threefry2x323A_1778, %threefry2x323A_1781 : vector<64x128xi32>
      %threefry2x323A_1783 = arith.xori %threefry2x323A_1775, %threefry2x323A_1782 : vector<64x128xi32>
      %threefry2x323A_1784 = arith.addi %threefry2x323A_1775, %threefry2x323A_1783 : vector<64x128xi32>
      %threefry2x323A_1785 = arith.constant 6 : i32
      %threefry2x323A_1786 = vector.broadcast %threefry2x323A_1785 : i32 to vector<64x128xi32>
      %threefry2x323A_1787 = arith.shli %threefry2x323A_1783, %threefry2x323A_1786 : vector<64x128xi32>
      %threefry2x323A_1788 = arith.constant 26 : i32
      %threefry2x323A_1789 = vector.broadcast %threefry2x323A_1788 : i32 to vector<64x128xi32>
      %threefry2x323A_1790 = arith.shrui %threefry2x323A_1783, %threefry2x323A_1789 : vector<64x128xi32>
      %threefry2x323A_1791 = arith.ori %threefry2x323A_1787, %threefry2x323A_1790 : vector<64x128xi32>
      %threefry2x323A_1792 = arith.xori %threefry2x323A_1784, %threefry2x323A_1791 : vector<64x128xi32>
      %threefry2x323A_1793 = vector.broadcast %threefry2x323A_1662 : i32 to vector<64x128xi32>
      %threefry2x323A_1794 = arith.addi %threefry2x323A_1784, %threefry2x323A_1793 : vector<64x128xi32>
      %threefry2x323A_1795 = vector.broadcast %threefry2x323A_1663 : i32 to vector<64x128xi32>
      %threefry2x323A_1796 = arith.addi %threefry2x323A_1792, %threefry2x323A_1795 : vector<64x128xi32>
      %threefry2x323A_1797 = arith.constant 3 : i32
      %threefry2x323A_1798 = vector.broadcast %threefry2x323A_1797 : i32 to vector<64x128xi32>
      %threefry2x323A_1799 = arith.addi %threefry2x323A_1796, %threefry2x323A_1798 : vector<64x128xi32>
      %threefry2x323A_1800 = arith.addi %threefry2x323A_1794, %threefry2x323A_1799 : vector<64x128xi32>
      %threefry2x323A_1801 = arith.constant 17 : i32
      %threefry2x323A_1802 = vector.broadcast %threefry2x323A_1801 : i32 to vector<64x128xi32>
      %threefry2x323A_1803 = arith.shli %threefry2x323A_1799, %threefry2x323A_1802 : vector<64x128xi32>
      %threefry2x323A_1804 = arith.constant 15 : i32
      %threefry2x323A_1805 = vector.broadcast %threefry2x323A_1804 : i32 to vector<64x128xi32>
      %threefry2x323A_1806 = arith.shrui %threefry2x323A_1799, %threefry2x323A_1805 : vector<64x128xi32>
      %threefry2x323A_1807 = arith.ori %threefry2x323A_1803, %threefry2x323A_1806 : vector<64x128xi32>
      %threefry2x323A_1808 = arith.xori %threefry2x323A_1800, %threefry2x323A_1807 : vector<64x128xi32>
      %threefry2x323A_1809 = arith.addi %threefry2x323A_1800, %threefry2x323A_1808 : vector<64x128xi32>
      %threefry2x323A_1810 = arith.constant 29 : i32
      %threefry2x323A_1811 = vector.broadcast %threefry2x323A_1810 : i32 to vector<64x128xi32>
      %threefry2x323A_1812 = arith.shli %threefry2x323A_1808, %threefry2x323A_1811 : vector<64x128xi32>
      %threefry2x323A_1813 = arith.constant 3 : i32
      %threefry2x323A_1814 = vector.broadcast %threefry2x323A_1813 : i32 to vector<64x128xi32>
      %threefry2x323A_1815 = arith.shrui %threefry2x323A_1808, %threefry2x323A_1814 : vector<64x128xi32>
      %threefry2x323A_1816 = arith.ori %threefry2x323A_1812, %threefry2x323A_1815 : vector<64x128xi32>
      %threefry2x323A_1817 = arith.xori %threefry2x323A_1809, %threefry2x323A_1816 : vector<64x128xi32>
      %threefry2x323A_1818 = arith.addi %threefry2x323A_1809, %threefry2x323A_1817 : vector<64x128xi32>
      %threefry2x323A_1819 = arith.constant 16 : i32
      %threefry2x323A_1820 = vector.broadcast %threefry2x323A_1819 : i32 to vector<64x128xi32>
      %threefry2x323A_1821 = arith.shli %threefry2x323A_1817, %threefry2x323A_1820 : vector<64x128xi32>
      %threefry2x323A_1822 = arith.constant 16 : i32
      %threefry2x323A_1823 = vector.broadcast %threefry2x323A_1822 : i32 to vector<64x128xi32>
      %threefry2x323A_1824 = arith.shrui %threefry2x323A_1817, %threefry2x323A_1823 : vector<64x128xi32>
      %threefry2x323A_1825 = arith.ori %threefry2x323A_1821, %threefry2x323A_1824 : vector<64x128xi32>
      %threefry2x323A_1826 = arith.xori %threefry2x323A_1818, %threefry2x323A_1825 : vector<64x128xi32>
      %threefry2x323A_1827 = arith.addi %threefry2x323A_1818, %threefry2x323A_1826 : vector<64x128xi32>
      %threefry2x323A_1828 = arith.constant 24 : i32
      %threefry2x323A_1829 = vector.broadcast %threefry2x323A_1828 : i32 to vector<64x128xi32>
      %threefry2x323A_1830 = arith.shli %threefry2x323A_1826, %threefry2x323A_1829 : vector<64x128xi32>
      %threefry2x323A_1831 = arith.constant 8 : i32
      %threefry2x323A_1832 = vector.broadcast %threefry2x323A_1831 : i32 to vector<64x128xi32>
      %threefry2x323A_1833 = arith.shrui %threefry2x323A_1826, %threefry2x323A_1832 : vector<64x128xi32>
      %threefry2x323A_1834 = arith.ori %threefry2x323A_1830, %threefry2x323A_1833 : vector<64x128xi32>
      %threefry2x323A_1835 = arith.xori %threefry2x323A_1827, %threefry2x323A_1834 : vector<64x128xi32>
      %threefry2x323A_1836 = vector.broadcast %threefry2x323A_1663 : i32 to vector<64x128xi32>
      %threefry2x323A_1837 = arith.addi %threefry2x323A_1827, %threefry2x323A_1836 : vector<64x128xi32>
      %threefry2x323A_1838 = vector.broadcast %threefry2x323A_1666 : i32 to vector<64x128xi32>
      %threefry2x323A_1839 = arith.addi %threefry2x323A_1835, %threefry2x323A_1838 : vector<64x128xi32>
      %threefry2x323A_1840 = arith.constant 4 : i32
      %threefry2x323A_1841 = vector.broadcast %threefry2x323A_1840 : i32 to vector<64x128xi32>
      %threefry2x323A_1842 = arith.addi %threefry2x323A_1839, %threefry2x323A_1841 : vector<64x128xi32>
      %threefry2x323A_1843 = arith.addi %threefry2x323A_1837, %threefry2x323A_1842 : vector<64x128xi32>
      %threefry2x323A_1844 = arith.constant 13 : i32
      %threefry2x323A_1845 = vector.broadcast %threefry2x323A_1844 : i32 to vector<64x128xi32>
      %threefry2x323A_1846 = arith.shli %threefry2x323A_1842, %threefry2x323A_1845 : vector<64x128xi32>
      %threefry2x323A_1847 = arith.constant 19 : i32
      %threefry2x323A_1848 = vector.broadcast %threefry2x323A_1847 : i32 to vector<64x128xi32>
      %threefry2x323A_1849 = arith.shrui %threefry2x323A_1842, %threefry2x323A_1848 : vector<64x128xi32>
      %threefry2x323A_1850 = arith.ori %threefry2x323A_1846, %threefry2x323A_1849 : vector<64x128xi32>
      %threefry2x323A_1851 = arith.xori %threefry2x323A_1843, %threefry2x323A_1850 : vector<64x128xi32>
      %threefry2x323A_1852 = arith.addi %threefry2x323A_1843, %threefry2x323A_1851 : vector<64x128xi32>
      %threefry2x323A_1853 = arith.constant 15 : i32
      %threefry2x323A_1854 = vector.broadcast %threefry2x323A_1853 : i32 to vector<64x128xi32>
      %threefry2x323A_1855 = arith.shli %threefry2x323A_1851, %threefry2x323A_1854 : vector<64x128xi32>
      %threefry2x323A_1856 = arith.constant 17 : i32
      %threefry2x323A_1857 = vector.broadcast %threefry2x323A_1856 : i32 to vector<64x128xi32>
      %threefry2x323A_1858 = arith.shrui %threefry2x323A_1851, %threefry2x323A_1857 : vector<64x128xi32>
      %threefry2x323A_1859 = arith.ori %threefry2x323A_1855, %threefry2x323A_1858 : vector<64x128xi32>
      %threefry2x323A_1860 = arith.xori %threefry2x323A_1852, %threefry2x323A_1859 : vector<64x128xi32>
      %threefry2x323A_1861 = arith.addi %threefry2x323A_1852, %threefry2x323A_1860 : vector<64x128xi32>
      %threefry2x323A_1862 = arith.constant 26 : i32
      %threefry2x323A_1863 = vector.broadcast %threefry2x323A_1862 : i32 to vector<64x128xi32>
      %threefry2x323A_1864 = arith.shli %threefry2x323A_1860, %threefry2x323A_1863 : vector<64x128xi32>
      %threefry2x323A_1865 = arith.constant 6 : i32
      %threefry2x323A_1866 = vector.broadcast %threefry2x323A_1865 : i32 to vector<64x128xi32>
      %threefry2x323A_1867 = arith.shrui %threefry2x323A_1860, %threefry2x323A_1866 : vector<64x128xi32>
      %threefry2x323A_1868 = arith.ori %threefry2x323A_1864, %threefry2x323A_1867 : vector<64x128xi32>
      %threefry2x323A_1869 = arith.xori %threefry2x323A_1861, %threefry2x323A_1868 : vector<64x128xi32>
      %threefry2x323A_1870 = arith.addi %threefry2x323A_1861, %threefry2x323A_1869 : vector<64x128xi32>
      %threefry2x323A_1871 = arith.constant 6 : i32
      %threefry2x323A_1872 = vector.broadcast %threefry2x323A_1871 : i32 to vector<64x128xi32>
      %threefry2x323A_1873 = arith.shli %threefry2x323A_1869, %threefry2x323A_1872 : vector<64x128xi32>
      %threefry2x323A_1874 = arith.constant 26 : i32
      %threefry2x323A_1875 = vector.broadcast %threefry2x323A_1874 : i32 to vector<64x128xi32>
      %threefry2x323A_1876 = arith.shrui %threefry2x323A_1869, %threefry2x323A_1875 : vector<64x128xi32>
      %threefry2x323A_1877 = arith.ori %threefry2x323A_1873, %threefry2x323A_1876 : vector<64x128xi32>
      %threefry2x323A_1878 = arith.xori %threefry2x323A_1870, %threefry2x323A_1877 : vector<64x128xi32>
      %threefry2x323A_1879 = vector.broadcast %threefry2x323A_1666 : i32 to vector<64x128xi32>
      %threefry2x323A_1880 = arith.addi %threefry2x323A_1870, %threefry2x323A_1879 : vector<64x128xi32>
      %threefry2x323A_1881 = vector.broadcast %threefry2x323A_1662 : i32 to vector<64x128xi32>
      %threefry2x323A_1882 = arith.addi %threefry2x323A_1878, %threefry2x323A_1881 : vector<64x128xi32>
      %threefry2x323A_1883 = arith.constant 5 : i32
      %threefry2x323A_1884 = vector.broadcast %threefry2x323A_1883 : i32 to vector<64x128xi32>
      %threefry2x323A_1885 = arith.addi %threefry2x323A_1882, %threefry2x323A_1884 : vector<64x128xi32>
      "tpu.trace_stop"() : () -> ()
      %xor3A_1886 = arith.xori %threefry2x323A_1880, %threefry2x323A_1885 : vector<64x128xi32>
      %shift_right_logical3A_1887 = arith.constant 9 : i32
      %shift_right_logical3A_1888 = vector.broadcast %shift_right_logical3A_1887 : i32 to vector<64x128xi32>
      %shift_right_logical3A_1889 = arith.shrui %xor3A_1886, %shift_right_logical3A_1888 : vector<64x128xi32>
      %or3A_1890 = arith.constant 1065353216 : i32
      %or3A_1891 = vector.broadcast %or3A_1890 : i32 to vector<64x128xi32>
      %or3A_1892 = arith.ori %shift_right_logical3A_1889, %or3A_1891 : vector<64x128xi32>
      %bitcast_convert_type3A_1893 = tpu.bitcast %or3A_1892 : vector<64x128xi32> -> vector<64x128xf32>
      %sub3A_1894 = arith.constant 1.000000e+00 : f32
      %sub3A_1895 = vector.broadcast %sub3A_1894 : f32 to vector<64x128xf32>
      %sub3A_1896 = arith.subf %bitcast_convert_type3A_1893, %sub3A_1895 : vector<64x128xf32>
      %mul3A_1897 = arith.constant 1.000000e+00 : f32
      %mul3A_1898 = vector.broadcast %mul3A_1897 : f32 to vector<64x128xf32>
      %mul3A_1899 = arith.mulf %sub3A_1896, %mul3A_1898 : vector<64x128xf32>
      %add3A_1900 = arith.constant 1.17549435E-38 : f32
      %add3A_1901 = vector.broadcast %add3A_1900 : f32 to vector<64x128xf32>
      %add3A_1902 = arith.addf %mul3A_1899, %add3A_1901 : vector<64x128xf32>
      %max3A_1903 = arith.constant 1.17549435E-38 : f32
      %max3A_1904 = vector.broadcast %max3A_1903 : f32 to vector<64x128xf32>
      %max3A_1905 = arith.maximumf %max3A_1904, %add3A_1902 : vector<64x128xf32>
      %mul3A_1906 = arith.constant 128 : i32
      %mul3A_1907 = arith.muli %scan3A_1655, %mul3A_1906 : i32
      %get3A_1908 = arith.constant 0 : index
      %get3A_1909 = arith.index_cast %mul3A_1907 : i32 to index
      %get3A_1910 = vector.load %arg3[%get3A_1908, %get3A_1909] : memref<64x8192xf32, #tpu.memory_space<vmem>>, vector<64x128xf32>
      %log3A_1911 = math.log %max3A_1905 : vector<64x128xf32>
      %neg3A_1912 = arith.constant 0.000000e+00 : f32
      %neg3A_1913 = vector.broadcast %neg3A_1912 : f32 to vector<64x128xf32>
      %neg3A_1914 = arith.subf %neg3A_1913, %log3A_1911 : vector<64x128xf32>
      %log3A_1915 = math.log %neg3A_1914 : vector<64x128xf32>
      %neg3A_1916 = arith.constant 0.000000e+00 : f32
      %neg3A_1917 = vector.broadcast %neg3A_1916 : f32 to vector<64x128xf32>
      %neg3A_1918 = arith.subf %neg3A_1917, %log3A_1915 : vector<64x128xf32>
      %add3A_1919 = arith.addf %neg3A_1918, %get3A_1910 : vector<64x128xf32>
      %gt3A_1920 = arith.cmpf ogt, %add3A_1919, %select_n3A_1653 : vector<64x128xf32>
      %mul3A_1921 = arith.constant 128 : i32
      %mul3A_1922 = arith.muli %scan3A_1655, %mul3A_1921 : i32
      %add3A_1923 = vector.broadcast %mul3A_1922 : i32 to vector<64x128xi32>
      %add3A_1924 = arith.addi %add3A_1923, %iota3A_2 : vector<64x128xi32>
      %select_n3A_1925 = arith.select %gt3A_1920, %add3A_1924, %select_n3A_1652 : vector<64x128xi1>, vector<64x128xi32>
      %select_n3A_1926 = arith.select %gt3A_1920, %add3A_1919, %select_n3A_1653 : vector<64x128xi1>, vector<64x128xf32>
      %scan3A_1927 = arith.constant 7 : i32
      %scan3A_1928 = arith.addi %scan3A_26, %scan3A_1927 : i32
      %mul3A_1929 = arith.constant 128 : i32
      %mul3A_1930 = arith.muli %scan3A_1928, %mul3A_1929 : i32
      %add3A_1931 = vector.broadcast %mul3A_1930 : i32 to vector<64x128xi32>
      %add3A_1932 = arith.addi %add3A_8, %add3A_1931 : vector<64x128xi32>
      %broadcast_in_dim3A_1933 = arith.constant 0 : i32
      %broadcast_in_dim3A_1934 = vector.broadcast %broadcast_in_dim3A_1933 : i32 to vector<64x128xi32>
      %threefry2x323A_1935 = arith.constant 0 : i32
      %threefry2x323A_1936 = arith.constant 2 : i32
      "tpu.trace_start"() <{level = 10 : i32, message = "threefry2x32"}> : () -> ()
      %threefry2x323A_1937 = arith.xori %threefry2x323A_1935, %threefry2x323A_1936 : i32
      %threefry2x323A_1938 = arith.constant 466688986 : i32
      %threefry2x323A_1939 = arith.xori %threefry2x323A_1937, %threefry2x323A_1938 : i32
      %threefry2x323A_1940 = vector.broadcast %threefry2x323A_1935 : i32 to vector<64x128xi32>
      %threefry2x323A_1941 = arith.addi %broadcast_in_dim3A_1934, %threefry2x323A_1940 : vector<64x128xi32>
      %threefry2x323A_1942 = vector.broadcast %threefry2x323A_1936 : i32 to vector<64x128xi32>
      %threefry2x323A_1943 = arith.addi %add3A_1932, %threefry2x323A_1942 : vector<64x128xi32>
      %threefry2x323A_1944 = arith.addi %threefry2x323A_1941, %threefry2x323A_1943 : vector<64x128xi32>
      %threefry2x323A_1945 = arith.constant 13 : i32
      %threefry2x323A_1946 = vector.broadcast %threefry2x323A_1945 : i32 to vector<64x128xi32>
      %threefry2x323A_1947 = arith.shli %threefry2x323A_1943, %threefry2x323A_1946 : vector<64x128xi32>
      %threefry2x323A_1948 = arith.constant 19 : i32
      %threefry2x323A_1949 = vector.broadcast %threefry2x323A_1948 : i32 to vector<64x128xi32>
      %threefry2x323A_1950 = arith.shrui %threefry2x323A_1943, %threefry2x323A_1949 : vector<64x128xi32>
      %threefry2x323A_1951 = arith.ori %threefry2x323A_1947, %threefry2x323A_1950 : vector<64x128xi32>
      %threefry2x323A_1952 = arith.xori %threefry2x323A_1944, %threefry2x323A_1951 : vector<64x128xi32>
      %threefry2x323A_1953 = arith.addi %threefry2x323A_1944, %threefry2x323A_1952 : vector<64x128xi32>
      %threefry2x323A_1954 = arith.constant 15 : i32
      %threefry2x323A_1955 = vector.broadcast %threefry2x323A_1954 : i32 to vector<64x128xi32>
      %threefry2x323A_1956 = arith.shli %threefry2x323A_1952, %threefry2x323A_1955 : vector<64x128xi32>
      %threefry2x323A_1957 = arith.constant 17 : i32
      %threefry2x323A_1958 = vector.broadcast %threefry2x323A_1957 : i32 to vector<64x128xi32>
      %threefry2x323A_1959 = arith.shrui %threefry2x323A_1952, %threefry2x323A_1958 : vector<64x128xi32>
      %threefry2x323A_1960 = arith.ori %threefry2x323A_1956, %threefry2x323A_1959 : vector<64x128xi32>
      %threefry2x323A_1961 = arith.xori %threefry2x323A_1953, %threefry2x323A_1960 : vector<64x128xi32>
      %threefry2x323A_1962 = arith.addi %threefry2x323A_1953, %threefry2x323A_1961 : vector<64x128xi32>
      %threefry2x323A_1963 = arith.constant 26 : i32
      %threefry2x323A_1964 = vector.broadcast %threefry2x323A_1963 : i32 to vector<64x128xi32>
      %threefry2x323A_1965 = arith.shli %threefry2x323A_1961, %threefry2x323A_1964 : vector<64x128xi32>
      %threefry2x323A_1966 = arith.constant 6 : i32
      %threefry2x323A_1967 = vector.broadcast %threefry2x323A_1966 : i32 to vector<64x128xi32>
      %threefry2x323A_1968 = arith.shrui %threefry2x323A_1961, %threefry2x323A_1967 : vector<64x128xi32>
      %threefry2x323A_1969 = arith.ori %threefry2x323A_1965, %threefry2x323A_1968 : vector<64x128xi32>
      %threefry2x323A_1970 = arith.xori %threefry2x323A_1962, %threefry2x323A_1969 : vector<64x128xi32>
      %threefry2x323A_1971 = arith.addi %threefry2x323A_1962, %threefry2x323A_1970 : vector<64x128xi32>
      %threefry2x323A_1972 = arith.constant 6 : i32
      %threefry2x323A_1973 = vector.broadcast %threefry2x323A_1972 : i32 to vector<64x128xi32>
      %threefry2x323A_1974 = arith.shli %threefry2x323A_1970, %threefry2x323A_1973 : vector<64x128xi32>
      %threefry2x323A_1975 = arith.constant 26 : i32
      %threefry2x323A_1976 = vector.broadcast %threefry2x323A_1975 : i32 to vector<64x128xi32>
      %threefry2x323A_1977 = arith.shrui %threefry2x323A_1970, %threefry2x323A_1976 : vector<64x128xi32>
      %threefry2x323A_1978 = arith.ori %threefry2x323A_1974, %threefry2x323A_1977 : vector<64x128xi32>
      %threefry2x323A_1979 = arith.xori %threefry2x323A_1971, %threefry2x323A_1978 : vector<64x128xi32>
      %threefry2x323A_1980 = vector.broadcast %threefry2x323A_1936 : i32 to vector<64x128xi32>
      %threefry2x323A_1981 = arith.addi %threefry2x323A_1971, %threefry2x323A_1980 : vector<64x128xi32>
      %threefry2x323A_1982 = vector.broadcast %threefry2x323A_1939 : i32 to vector<64x128xi32>
      %threefry2x323A_1983 = arith.addi %threefry2x323A_1979, %threefry2x323A_1982 : vector<64x128xi32>
      %threefry2x323A_1984 = arith.constant 1 : i32
      %threefry2x323A_1985 = vector.broadcast %threefry2x323A_1984 : i32 to vector<64x128xi32>
      %threefry2x323A_1986 = arith.addi %threefry2x323A_1983, %threefry2x323A_1985 : vector<64x128xi32>
      %threefry2x323A_1987 = arith.addi %threefry2x323A_1981, %threefry2x323A_1986 : vector<64x128xi32>
      %threefry2x323A_1988 = arith.constant 17 : i32
      %threefry2x323A_1989 = vector.broadcast %threefry2x323A_1988 : i32 to vector<64x128xi32>
      %threefry2x323A_1990 = arith.shli %threefry2x323A_1986, %threefry2x323A_1989 : vector<64x128xi32>
      %threefry2x323A_1991 = arith.constant 15 : i32
      %threefry2x323A_1992 = vector.broadcast %threefry2x323A_1991 : i32 to vector<64x128xi32>
      %threefry2x323A_1993 = arith.shrui %threefry2x323A_1986, %threefry2x323A_1992 : vector<64x128xi32>
      %threefry2x323A_1994 = arith.ori %threefry2x323A_1990, %threefry2x323A_1993 : vector<64x128xi32>
      %threefry2x323A_1995 = arith.xori %threefry2x323A_1987, %threefry2x323A_1994 : vector<64x128xi32>
      %threefry2x323A_1996 = arith.addi %threefry2x323A_1987, %threefry2x323A_1995 : vector<64x128xi32>
      %threefry2x323A_1997 = arith.constant 29 : i32
      %threefry2x323A_1998 = vector.broadcast %threefry2x323A_1997 : i32 to vector<64x128xi32>
      %threefry2x323A_1999 = arith.shli %threefry2x323A_1995, %threefry2x323A_1998 : vector<64x128xi32>
      %threefry2x323A_2000 = arith.constant 3 : i32
      %threefry2x323A_2001 = vector.broadcast %threefry2x323A_2000 : i32 to vector<64x128xi32>
      %threefry2x323A_2002 = arith.shrui %threefry2x323A_1995, %threefry2x323A_2001 : vector<64x128xi32>
      %threefry2x323A_2003 = arith.ori %threefry2x323A_1999, %threefry2x323A_2002 : vector<64x128xi32>
      %threefry2x323A_2004 = arith.xori %threefry2x323A_1996, %threefry2x323A_2003 : vector<64x128xi32>
      %threefry2x323A_2005 = arith.addi %threefry2x323A_1996, %threefry2x323A_2004 : vector<64x128xi32>
      %threefry2x323A_2006 = arith.constant 16 : i32
      %threefry2x323A_2007 = vector.broadcast %threefry2x323A_2006 : i32 to vector<64x128xi32>
      %threefry2x323A_2008 = arith.shli %threefry2x323A_2004, %threefry2x323A_2007 : vector<64x128xi32>
      %threefry2x323A_2009 = arith.constant 16 : i32
      %threefry2x323A_2010 = vector.broadcast %threefry2x323A_2009 : i32 to vector<64x128xi32>
      %threefry2x323A_2011 = arith.shrui %threefry2x323A_2004, %threefry2x323A_2010 : vector<64x128xi32>
      %threefry2x323A_2012 = arith.ori %threefry2x323A_2008, %threefry2x323A_2011 : vector<64x128xi32>
      %threefry2x323A_2013 = arith.xori %threefry2x323A_2005, %threefry2x323A_2012 : vector<64x128xi32>
      %threefry2x323A_2014 = arith.addi %threefry2x323A_2005, %threefry2x323A_2013 : vector<64x128xi32>
      %threefry2x323A_2015 = arith.constant 24 : i32
      %threefry2x323A_2016 = vector.broadcast %threefry2x323A_2015 : i32 to vector<64x128xi32>
      %threefry2x323A_2017 = arith.shli %threefry2x323A_2013, %threefry2x323A_2016 : vector<64x128xi32>
      %threefry2x323A_2018 = arith.constant 8 : i32
      %threefry2x323A_2019 = vector.broadcast %threefry2x323A_2018 : i32 to vector<64x128xi32>
      %threefry2x323A_2020 = arith.shrui %threefry2x323A_2013, %threefry2x323A_2019 : vector<64x128xi32>
      %threefry2x323A_2021 = arith.ori %threefry2x323A_2017, %threefry2x323A_2020 : vector<64x128xi32>
      %threefry2x323A_2022 = arith.xori %threefry2x323A_2014, %threefry2x323A_2021 : vector<64x128xi32>
      %threefry2x323A_2023 = vector.broadcast %threefry2x323A_1939 : i32 to vector<64x128xi32>
      %threefry2x323A_2024 = arith.addi %threefry2x323A_2014, %threefry2x323A_2023 : vector<64x128xi32>
      %threefry2x323A_2025 = vector.broadcast %threefry2x323A_1935 : i32 to vector<64x128xi32>
      %threefry2x323A_2026 = arith.addi %threefry2x323A_2022, %threefry2x323A_2025 : vector<64x128xi32>
      %threefry2x323A_2027 = arith.constant 2 : i32
      %threefry2x323A_2028 = vector.broadcast %threefry2x323A_2027 : i32 to vector<64x128xi32>
      %threefry2x323A_2029 = arith.addi %threefry2x323A_2026, %threefry2x323A_2028 : vector<64x128xi32>
      %threefry2x323A_2030 = arith.addi %threefry2x323A_2024, %threefry2x323A_2029 : vector<64x128xi32>
      %threefry2x323A_2031 = arith.constant 13 : i32
      %threefry2x323A_2032 = vector.broadcast %threefry2x323A_2031 : i32 to vector<64x128xi32>
      %threefry2x323A_2033 = arith.shli %threefry2x323A_2029, %threefry2x323A_2032 : vector<64x128xi32>
      %threefry2x323A_2034 = arith.constant 19 : i32
      %threefry2x323A_2035 = vector.broadcast %threefry2x323A_2034 : i32 to vector<64x128xi32>
      %threefry2x323A_2036 = arith.shrui %threefry2x323A_2029, %threefry2x323A_2035 : vector<64x128xi32>
      %threefry2x323A_2037 = arith.ori %threefry2x323A_2033, %threefry2x323A_2036 : vector<64x128xi32>
      %threefry2x323A_2038 = arith.xori %threefry2x323A_2030, %threefry2x323A_2037 : vector<64x128xi32>
      %threefry2x323A_2039 = arith.addi %threefry2x323A_2030, %threefry2x323A_2038 : vector<64x128xi32>
      %threefry2x323A_2040 = arith.constant 15 : i32
      %threefry2x323A_2041 = vector.broadcast %threefry2x323A_2040 : i32 to vector<64x128xi32>
      %threefry2x323A_2042 = arith.shli %threefry2x323A_2038, %threefry2x323A_2041 : vector<64x128xi32>
      %threefry2x323A_2043 = arith.constant 17 : i32
      %threefry2x323A_2044 = vector.broadcast %threefry2x323A_2043 : i32 to vector<64x128xi32>
      %threefry2x323A_2045 = arith.shrui %threefry2x323A_2038, %threefry2x323A_2044 : vector<64x128xi32>
      %threefry2x323A_2046 = arith.ori %threefry2x323A_2042, %threefry2x323A_2045 : vector<64x128xi32>
      %threefry2x323A_2047 = arith.xori %threefry2x323A_2039, %threefry2x323A_2046 : vector<64x128xi32>
      %threefry2x323A_2048 = arith.addi %threefry2x323A_2039, %threefry2x323A_2047 : vector<64x128xi32>
      %threefry2x323A_2049 = arith.constant 26 : i32
      %threefry2x323A_2050 = vector.broadcast %threefry2x323A_2049 : i32 to vector<64x128xi32>
      %threefry2x323A_2051 = arith.shli %threefry2x323A_2047, %threefry2x323A_2050 : vector<64x128xi32>
      %threefry2x323A_2052 = arith.constant 6 : i32
      %threefry2x323A_2053 = vector.broadcast %threefry2x323A_2052 : i32 to vector<64x128xi32>
      %threefry2x323A_2054 = arith.shrui %threefry2x323A_2047, %threefry2x323A_2053 : vector<64x128xi32>
      %threefry2x323A_2055 = arith.ori %threefry2x323A_2051, %threefry2x323A_2054 : vector<64x128xi32>
      %threefry2x323A_2056 = arith.xori %threefry2x323A_2048, %threefry2x323A_2055 : vector<64x128xi32>
      %threefry2x323A_2057 = arith.addi %threefry2x323A_2048, %threefry2x323A_2056 : vector<64x128xi32>
      %threefry2x323A_2058 = arith.constant 6 : i32
      %threefry2x323A_2059 = vector.broadcast %threefry2x323A_2058 : i32 to vector<64x128xi32>
      %threefry2x323A_2060 = arith.shli %threefry2x323A_2056, %threefry2x323A_2059 : vector<64x128xi32>
      %threefry2x323A_2061 = arith.constant 26 : i32
      %threefry2x323A_2062 = vector.broadcast %threefry2x323A_2061 : i32 to vector<64x128xi32>
      %threefry2x323A_2063 = arith.shrui %threefry2x323A_2056, %threefry2x323A_2062 : vector<64x128xi32>
      %threefry2x323A_2064 = arith.ori %threefry2x323A_2060, %threefry2x323A_2063 : vector<64x128xi32>
      %threefry2x323A_2065 = arith.xori %threefry2x323A_2057, %threefry2x323A_2064 : vector<64x128xi32>
      %threefry2x323A_2066 = vector.broadcast %threefry2x323A_1935 : i32 to vector<64x128xi32>
      %threefry2x323A_2067 = arith.addi %threefry2x323A_2057, %threefry2x323A_2066 : vector<64x128xi32>
      %threefry2x323A_2068 = vector.broadcast %threefry2x323A_1936 : i32 to vector<64x128xi32>
      %threefry2x323A_2069 = arith.addi %threefry2x323A_2065, %threefry2x323A_2068 : vector<64x128xi32>
      %threefry2x323A_2070 = arith.constant 3 : i32
      %threefry2x323A_2071 = vector.broadcast %threefry2x323A_2070 : i32 to vector<64x128xi32>
      %threefry2x323A_2072 = arith.addi %threefry2x323A_2069, %threefry2x323A_2071 : vector<64x128xi32>
      %threefry2x323A_2073 = arith.addi %threefry2x323A_2067, %threefry2x323A_2072 : vector<64x128xi32>
      %threefry2x323A_2074 = arith.constant 17 : i32
      %threefry2x323A_2075 = vector.broadcast %threefry2x323A_2074 : i32 to vector<64x128xi32>
      %threefry2x323A_2076 = arith.shli %threefry2x323A_2072, %threefry2x323A_2075 : vector<64x128xi32>
      %threefry2x323A_2077 = arith.constant 15 : i32
      %threefry2x323A_2078 = vector.broadcast %threefry2x323A_2077 : i32 to vector<64x128xi32>
      %threefry2x323A_2079 = arith.shrui %threefry2x323A_2072, %threefry2x323A_2078 : vector<64x128xi32>
      %threefry2x323A_2080 = arith.ori %threefry2x323A_2076, %threefry2x323A_2079 : vector<64x128xi32>
      %threefry2x323A_2081 = arith.xori %threefry2x323A_2073, %threefry2x323A_2080 : vector<64x128xi32>
      %threefry2x323A_2082 = arith.addi %threefry2x323A_2073, %threefry2x323A_2081 : vector<64x128xi32>
      %threefry2x323A_2083 = arith.constant 29 : i32
      %threefry2x323A_2084 = vector.broadcast %threefry2x323A_2083 : i32 to vector<64x128xi32>
      %threefry2x323A_2085 = arith.shli %threefry2x323A_2081, %threefry2x323A_2084 : vector<64x128xi32>
      %threefry2x323A_2086 = arith.constant 3 : i32
      %threefry2x323A_2087 = vector.broadcast %threefry2x323A_2086 : i32 to vector<64x128xi32>
      %threefry2x323A_2088 = arith.shrui %threefry2x323A_2081, %threefry2x323A_2087 : vector<64x128xi32>
      %threefry2x323A_2089 = arith.ori %threefry2x323A_2085, %threefry2x323A_2088 : vector<64x128xi32>
      %threefry2x323A_2090 = arith.xori %threefry2x323A_2082, %threefry2x323A_2089 : vector<64x128xi32>
      %threefry2x323A_2091 = arith.addi %threefry2x323A_2082, %threefry2x323A_2090 : vector<64x128xi32>
      %threefry2x323A_2092 = arith.constant 16 : i32
      %threefry2x323A_2093 = vector.broadcast %threefry2x323A_2092 : i32 to vector<64x128xi32>
      %threefry2x323A_2094 = arith.shli %threefry2x323A_2090, %threefry2x323A_2093 : vector<64x128xi32>
      %threefry2x323A_2095 = arith.constant 16 : i32
      %threefry2x323A_2096 = vector.broadcast %threefry2x323A_2095 : i32 to vector<64x128xi32>
      %threefry2x323A_2097 = arith.shrui %threefry2x323A_2090, %threefry2x323A_2096 : vector<64x128xi32>
      %threefry2x323A_2098 = arith.ori %threefry2x323A_2094, %threefry2x323A_2097 : vector<64x128xi32>
      %threefry2x323A_2099 = arith.xori %threefry2x323A_2091, %threefry2x323A_2098 : vector<64x128xi32>
      %threefry2x323A_2100 = arith.addi %threefry2x323A_2091, %threefry2x323A_2099 : vector<64x128xi32>
      %threefry2x323A_2101 = arith.constant 24 : i32
      %threefry2x323A_2102 = vector.broadcast %threefry2x323A_2101 : i32 to vector<64x128xi32>
      %threefry2x323A_2103 = arith.shli %threefry2x323A_2099, %threefry2x323A_2102 : vector<64x128xi32>
      %threefry2x323A_2104 = arith.constant 8 : i32
      %threefry2x323A_2105 = vector.broadcast %threefry2x323A_2104 : i32 to vector<64x128xi32>
      %threefry2x323A_2106 = arith.shrui %threefry2x323A_2099, %threefry2x323A_2105 : vector<64x128xi32>
      %threefry2x323A_2107 = arith.ori %threefry2x323A_2103, %threefry2x323A_2106 : vector<64x128xi32>
      %threefry2x323A_2108 = arith.xori %threefry2x323A_2100, %threefry2x323A_2107 : vector<64x128xi32>
      %threefry2x323A_2109 = vector.broadcast %threefry2x323A_1936 : i32 to vector<64x128xi32>
      %threefry2x323A_2110 = arith.addi %threefry2x323A_2100, %threefry2x323A_2109 : vector<64x128xi32>
      %threefry2x323A_2111 = vector.broadcast %threefry2x323A_1939 : i32 to vector<64x128xi32>
      %threefry2x323A_2112 = arith.addi %threefry2x323A_2108, %threefry2x323A_2111 : vector<64x128xi32>
      %threefry2x323A_2113 = arith.constant 4 : i32
      %threefry2x323A_2114 = vector.broadcast %threefry2x323A_2113 : i32 to vector<64x128xi32>
      %threefry2x323A_2115 = arith.addi %threefry2x323A_2112, %threefry2x323A_2114 : vector<64x128xi32>
      %threefry2x323A_2116 = arith.addi %threefry2x323A_2110, %threefry2x323A_2115 : vector<64x128xi32>
      %threefry2x323A_2117 = arith.constant 13 : i32
      %threefry2x323A_2118 = vector.broadcast %threefry2x323A_2117 : i32 to vector<64x128xi32>
      %threefry2x323A_2119 = arith.shli %threefry2x323A_2115, %threefry2x323A_2118 : vector<64x128xi32>
      %threefry2x323A_2120 = arith.constant 19 : i32
      %threefry2x323A_2121 = vector.broadcast %threefry2x323A_2120 : i32 to vector<64x128xi32>
      %threefry2x323A_2122 = arith.shrui %threefry2x323A_2115, %threefry2x323A_2121 : vector<64x128xi32>
      %threefry2x323A_2123 = arith.ori %threefry2x323A_2119, %threefry2x323A_2122 : vector<64x128xi32>
      %threefry2x323A_2124 = arith.xori %threefry2x323A_2116, %threefry2x323A_2123 : vector<64x128xi32>
      %threefry2x323A_2125 = arith.addi %threefry2x323A_2116, %threefry2x323A_2124 : vector<64x128xi32>
      %threefry2x323A_2126 = arith.constant 15 : i32
      %threefry2x323A_2127 = vector.broadcast %threefry2x323A_2126 : i32 to vector<64x128xi32>
      %threefry2x323A_2128 = arith.shli %threefry2x323A_2124, %threefry2x323A_2127 : vector<64x128xi32>
      %threefry2x323A_2129 = arith.constant 17 : i32
      %threefry2x323A_2130 = vector.broadcast %threefry2x323A_2129 : i32 to vector<64x128xi32>
      %threefry2x323A_2131 = arith.shrui %threefry2x323A_2124, %threefry2x323A_2130 : vector<64x128xi32>
      %threefry2x323A_2132 = arith.ori %threefry2x323A_2128, %threefry2x323A_2131 : vector<64x128xi32>
      %threefry2x323A_2133 = arith.xori %threefry2x323A_2125, %threefry2x323A_2132 : vector<64x128xi32>
      %threefry2x323A_2134 = arith.addi %threefry2x323A_2125, %threefry2x323A_2133 : vector<64x128xi32>
      %threefry2x323A_2135 = arith.constant 26 : i32
      %threefry2x323A_2136 = vector.broadcast %threefry2x323A_2135 : i32 to vector<64x128xi32>
      %threefry2x323A_2137 = arith.shli %threefry2x323A_2133, %threefry2x323A_2136 : vector<64x128xi32>
      %threefry2x323A_2138 = arith.constant 6 : i32
      %threefry2x323A_2139 = vector.broadcast %threefry2x323A_2138 : i32 to vector<64x128xi32>
      %threefry2x323A_2140 = arith.shrui %threefry2x323A_2133, %threefry2x323A_2139 : vector<64x128xi32>
      %threefry2x323A_2141 = arith.ori %threefry2x323A_2137, %threefry2x323A_2140 : vector<64x128xi32>
      %threefry2x323A_2142 = arith.xori %threefry2x323A_2134, %threefry2x323A_2141 : vector<64x128xi32>
      %threefry2x323A_2143 = arith.addi %threefry2x323A_2134, %threefry2x323A_2142 : vector<64x128xi32>
      %threefry2x323A_2144 = arith.constant 6 : i32
      %threefry2x323A_2145 = vector.broadcast %threefry2x323A_2144 : i32 to vector<64x128xi32>
      %threefry2x323A_2146 = arith.shli %threefry2x323A_2142, %threefry2x323A_2145 : vector<64x128xi32>
      %threefry2x323A_2147 = arith.constant 26 : i32
      %threefry2x323A_2148 = vector.broadcast %threefry2x323A_2147 : i32 to vector<64x128xi32>
      %threefry2x323A_2149 = arith.shrui %threefry2x323A_2142, %threefry2x323A_2148 : vector<64x128xi32>
      %threefry2x323A_2150 = arith.ori %threefry2x323A_2146, %threefry2x323A_2149 : vector<64x128xi32>
      %threefry2x323A_2151 = arith.xori %threefry2x323A_2143, %threefry2x323A_2150 : vector<64x128xi32>
      %threefry2x323A_2152 = vector.broadcast %threefry2x323A_1939 : i32 to vector<64x128xi32>
      %threefry2x323A_2153 = arith.addi %threefry2x323A_2143, %threefry2x323A_2152 : vector<64x128xi32>
      %threefry2x323A_2154 = vector.broadcast %threefry2x323A_1935 : i32 to vector<64x128xi32>
      %threefry2x323A_2155 = arith.addi %threefry2x323A_2151, %threefry2x323A_2154 : vector<64x128xi32>
      %threefry2x323A_2156 = arith.constant 5 : i32
      %threefry2x323A_2157 = vector.broadcast %threefry2x323A_2156 : i32 to vector<64x128xi32>
      %threefry2x323A_2158 = arith.addi %threefry2x323A_2155, %threefry2x323A_2157 : vector<64x128xi32>
      "tpu.trace_stop"() : () -> ()
      %xor3A_2159 = arith.xori %threefry2x323A_2153, %threefry2x323A_2158 : vector<64x128xi32>
      %shift_right_logical3A_2160 = arith.constant 9 : i32
      %shift_right_logical3A_2161 = vector.broadcast %shift_right_logical3A_2160 : i32 to vector<64x128xi32>
      %shift_right_logical3A_2162 = arith.shrui %xor3A_2159, %shift_right_logical3A_2161 : vector<64x128xi32>
      %or3A_2163 = arith.constant 1065353216 : i32
      %or3A_2164 = vector.broadcast %or3A_2163 : i32 to vector<64x128xi32>
      %or3A_2165 = arith.ori %shift_right_logical3A_2162, %or3A_2164 : vector<64x128xi32>
      %bitcast_convert_type3A_2166 = tpu.bitcast %or3A_2165 : vector<64x128xi32> -> vector<64x128xf32>
      %sub3A_2167 = arith.constant 1.000000e+00 : f32
      %sub3A_2168 = vector.broadcast %sub3A_2167 : f32 to vector<64x128xf32>
      %sub3A_2169 = arith.subf %bitcast_convert_type3A_2166, %sub3A_2168 : vector<64x128xf32>
      %mul3A_2170 = arith.constant 1.000000e+00 : f32
      %mul3A_2171 = vector.broadcast %mul3A_2170 : f32 to vector<64x128xf32>
      %mul3A_2172 = arith.mulf %sub3A_2169, %mul3A_2171 : vector<64x128xf32>
      %add3A_2173 = arith.constant 1.17549435E-38 : f32
      %add3A_2174 = vector.broadcast %add3A_2173 : f32 to vector<64x128xf32>
      %add3A_2175 = arith.addf %mul3A_2172, %add3A_2174 : vector<64x128xf32>
      %max3A_2176 = arith.constant 1.17549435E-38 : f32
      %max3A_2177 = vector.broadcast %max3A_2176 : f32 to vector<64x128xf32>
      %max3A_2178 = arith.maximumf %max3A_2177, %add3A_2175 : vector<64x128xf32>
      %mul3A_2179 = arith.constant 128 : i32
      %mul3A_2180 = arith.muli %scan3A_1928, %mul3A_2179 : i32
      %get3A_2181 = arith.constant 0 : index
      %get3A_2182 = arith.index_cast %mul3A_2180 : i32 to index
      %get3A_2183 = vector.load %arg3[%get3A_2181, %get3A_2182] : memref<64x8192xf32, #tpu.memory_space<vmem>>, vector<64x128xf32>
      %log3A_2184 = math.log %max3A_2178 : vector<64x128xf32>
      %neg3A_2185 = arith.constant 0.000000e+00 : f32
      %neg3A_2186 = vector.broadcast %neg3A_2185 : f32 to vector<64x128xf32>
      %neg3A_2187 = arith.subf %neg3A_2186, %log3A_2184 : vector<64x128xf32>
      %log3A_2188 = math.log %neg3A_2187 : vector<64x128xf32>
      %neg3A_2189 = arith.constant 0.000000e+00 : f32
      %neg3A_2190 = vector.broadcast %neg3A_2189 : f32 to vector<64x128xf32>
      %neg3A_2191 = arith.subf %neg3A_2190, %log3A_2188 : vector<64x128xf32>
      %add3A_2192 = arith.addf %neg3A_2191, %get3A_2183 : vector<64x128xf32>
      %gt3A_2193 = arith.cmpf ogt, %add3A_2192, %select_n3A_1926 : vector<64x128xf32>
      %mul3A_2194 = arith.constant 128 : i32
      %mul3A_2195 = arith.muli %scan3A_1928, %mul3A_2194 : i32
      %add3A_2196 = vector.broadcast %mul3A_2195 : i32 to vector<64x128xi32>
      %add3A_2197 = arith.addi %add3A_2196, %iota3A_2 : vector<64x128xi32>
      %select_n3A_2198 = arith.select %gt3A_2193, %add3A_2197, %select_n3A_1925 : vector<64x128xi1>, vector<64x128xi32>
      %select_n3A_2199 = arith.select %gt3A_2193, %add3A_2192, %select_n3A_1926 : vector<64x128xi1>, vector<64x128xf32>
      scf.yield %select_n3A_2199, %select_n3A_2198 : vector<64x128xf32>, vector<64x128xi32>
    }
    %scan3A_16 = arith.constant 64 : i32
    %reduce_max3A = arith.constant dense<0xFF800000> : vector<64xf32>
    %reduce_max3A_17 = vector.multi_reduction <maximumf>, %scan3A_15#0, %reduce_max3A [1] : vector<64x128xf32> to vector<64xf32>
    %broadcast_in_dim3A_18 = vector.shape_cast %reduce_max3A_17 : vector<64xf32> to vector<64x1xf32>
    %eq3A_19 = vector.broadcast %broadcast_in_dim3A_18 : vector<64x1xf32> to vector<64x128xf32>
    %eq3A_20 = arith.cmpf oeq, %scan3A_15#0, %eq3A_19 : vector<64x128xf32>
    %jit3A = arith.constant 1073741824 : i32
    %broadcast_in_dim3A_21 = vector.broadcast %jit3A : i32 to vector<64x128xi32>
    %select_n3A = arith.select %eq3A_20, %scan3A_15#1, %broadcast_in_dim3A_21 : vector<64x128xi1>, vector<64x128xi32>
    %reduce_min3A = arith.constant dense<2147483647> : vector<64xi32>
    %reduce_min3A_22 = vector.multi_reduction <minsi>, %select_n3A, %reduce_min3A [1] : vector<64x128xi32> to vector<64xi32>
    %broadcast_in_dim3A_23 = vector.shape_cast %reduce_min3A_22 : vector<64xi32> to vector<64x1xi32>
    %swap3A = arith.constant 0 : index
    %swap3A_24 = arith.constant 0 : index
    %swap3A_25 = vector.load %arg2[%swap3A, %swap3A_24] : memref<64x1xi32, #tpu.memory_space<vmem>>, vector<64x1xi32>
    tpu.vector_store %arg2[%swap3A, %swap3A_24], %broadcast_in_dim3A_23 {strides = array<i32>} : memref<64x1xi32, #tpu.memory_space<vmem>>, vector<64x1xi32>,
    return
  }
  func.func @transform_0(%arg0: i32) -> (i32, i32) {
    %c0_i32 = arith.constant 0 : i32
    %c0_i32_0 = arith.constant 0 : i32
    %c0_i32_1 = arith.constant 0 : i32
    return %c0_i32, %c0_i32_0 : i32, i32
  }
  func.func @transform_1(%arg0: i32) -> (i32, i32) {
    %c0_i32 = arith.constant 0 : i32
    %c0_i32_0 = arith.constant 0 : i32
    return %arg0, %c0_i32 : i32, i32
  }
}

</mosaic_0001>

<sc_bundles>
// kernel: kernel.4.cloned.1.call-start
scs
__scs_entry_jumppad:
0x0: {  	(pc) =	sbr.rel $0x88, $3  }
0x1: {  	(tag) =	ssettag $0x0;
	lr =	simm.s32 $0x1  }
0x2: {  	[smem:$0x3F9C] =	sst lr;
	_ =	strace $0xD0000000  }
0x3: {  	_ = 	snop  }
0x4: {  	_ = 	snop  }
0x5: {  	_ = 	snop  }
0x6: {  	_ = 	snop  }
0x7: {  	_ = 	snop  }
__scs_overlays_trampoline_lowered:
0x8: {  	[smem:$0x3FAB] =	sst s0  }
0x9: {  	[smem:$0x3FAC] =	sst s1  }
0xa: {  	[smem:$0x3FAD] =	sst s2  }
0xb: {  	[smem:$0x3FAE] =	sst s3  }
0xc: {  	[smem:$0x3FAF] =	sst s4  }
0xd: {  	[smem:$0x3FB0] =	sst s5  }
0xe: {  	[smem:$0x3FB1] =	sst s6  }
0xf: {  	[smem:$0x3FB2] =	sst s7  }
0x10: {  	[smem:$0x3FB3] =	sst s8  }
0x11: {  	[smem:$0x3FB4] =	sst s9;
	s0 =	simm.s32 @!p0 $0x0  }
0x12: {  	s1 =	sld [smem:$0x3F9A];
	s0 =	simm.s32 @p0 $0x1  }
0x13: {  	[smem:$0x3FB5] =	sst s0;
	s0 =	simm.s32 @!p1 $0x0  }
0x14: {  	s2 =	sld [smem:$0x3F99];
	s0 =	simm.s32 @p1 $0x1  }
0x15: {  	[smem:$0x3FB6] =	sst s0;
	s0 =	simm.s32 @!p2 $0x0  }
0x16: {  	s3 =	sld [smem:$0x3FDB];
	s0 =	simm.s32 @p2 $0x1  }
0x17: {  	s4 =	simm.s32 $0x1BF5;
	[smem:$0x3FB8] =	sst s0  }
0x18: {  	s0 =	sld [smem:$0x3F9B];
	_ =	swait.ge [sflag:s4], $0x0  }
0x19: {  	s7 =	sld [smem:$0x3F9C]  }
0x1a: {  	s8 =	sadd.s32 $0xFFFFE003, lr  }
0x1b: {  	s9 =	sadd.s32 $0xFFFFFEF7, lr;
	s5 =	simm.s32 $0xFFFFFFFF;
	p2 =	slt.u32 s8, $0xFFFFF086  }
0x1c: {  	p1 =	slt.u32 s9, $0xF7A;
	s5 =	simm.s32 @!p2 $0x0  }
0x1d: {  	s5 =	simm.s32 @p1 $0x1;
	p0 =	seq.s32 s7, s2  }
0x1e: {  	s7 =	smul.u32 @!p0 $0xF7A, s2;
	p2 =	seq.s32 @!p0 s5, $0x0  }
0x1f: {  	s9 =	smul.u32 $0xF7A, s1;
	s8 =	simm.s32 @!p0 $0x1BF5;
	p2 =	por !p2, p0  }
0x20: {  	[sflag:s8] =	ssyncset.s32 @!p0 $0xFFFFF086;
	s6 =	sadd.s32 @!p0 s3, s7;
	s7 =	simm.s32 @!p0 $0x108  }
0x21: {  	s3 =	sadd.s32 s3, s9;
	s6 =	sadd.s32 @!p0 $0x88, s6;
	s7 =	simm.s32 @p2 $0x1082  }
0x22: {  	[simem:s7], [sflag:s8] =	dma.local @!p0 [hbm:s6], $0xF7A  }
0x23: {  	s9 =	sor.u32 $0xD0000000, s2;
	s6 =	simm.s32 $0x108;
	_ =	swait.ge @!p0 [sflag:s8], $0x0  }
0x24: {  	s3 =	sadd.s32 $0x88, s3;
	s6 =	simm.s32 @!p1 $0x1082;
	[sflag:s4] =	ssyncset.s32 $0xFFFFF086  }
0x25: {  	[simem:s6], [sflag:s4] =	dma.local [hbm:s3], $0xF7A  }
0x26: {  	[smem:$0x3F9C] =	sst s1;
	(tag) =	ssettag s2;
	_ =	strace s9  }
0x27: {  	s1 =	sld [smem:$0x3FAC]  }
0x28: {  	s2 =	sld [smem:$0x3FAD]  }
0x29: {  	s4 =	sld [smem:$0x3FAF]  }
0x2a: {  	p0 =	seq.s32 s5, $0x0;
	s5 =	sld [smem:$0x3FB0]  }
0x2b: {  	s6 =	sld [smem:$0x3FB1]  }
0x2c: {  	s7 =	sld [smem:$0x3FB2]  }
0x2d: {  	s3 =	simm.s32 $0x108;
	s8 =	sld [smem:$0x3FB3]  }
0x2e: {  	s3 =	simm.s32 @!p0 $0x1082;
	s9 =	sld [smem:$0x3FB4]  }
0x2f: {  	lr =	sadd.s32 s0, s3;
	s0 =	sld [smem:$0x3FAB]  }
0x30: {  	s3 =	sld [smem:$0x3FAE]  }
0x31: {  	[smem:$0x3FB7] =	sst s10  }
0x32: {  	s10 =	sld [smem:$0x3FB5];
	_ =	sdelay $0x3  }
0x33: {  	p0 =	seq.s32 s10, $0x1;
	s10 =	sld [smem:$0x3FB7];
	_ =	sdelay $0x3  }
0x34: {  	[smem:$0x3FB7] =	sst s10  }
0x35: {  	s10 =	sld [smem:$0x3FB6];
	_ =	sdelay $0x3  }
0x36: {  	p1 =	seq.s32 s10, $0x1;
	s10 =	sld [smem:$0x3FB7];
	_ =	sdelay $0x3  }
0x37: {  	[smem:$0x3FB7] =	sst s10  }
0x38: {  	s10 =	sld [smem:$0x3FB8]  }
0x39: {  	_ = 	snop;
	(pc) =	sbr.ind lr, $3  }
0x3a: {  	_ = 	snop  }
0x3b: {  	_ = 	snop  }
0x3c: {  	p2 =	seq.s32 s10, $0x1;
	s10 =	sld [smem:$0x3FB7]  }
0x3d: {  	_ =	shalt  }
0x3e: {  	_ =	shalt  }
0x3f: {  	_ =	shalt  }
0x40: {  	_ =	shalt  }
0x41: {  	_ =	shalt  }
0x42: {  	_ =	shalt  }
0x43: {  	_ =	shalt  }
0x44: {  	_ =	shalt  }
0x45: {  	_ =	shalt  }
0x46: {  	_ =	shalt  }
0x47: {  	_ =	shalt  }
0x48: {  	_ =	shalt  }
0x49: {  	_ =	shalt  }
0x4a: {  	_ =	shalt  }
0x4b: {  	_ =	shalt  }
0x4c: {  	_ =	shalt  }
0x4d: {  	_ =	shalt  }
0x4e: {  	_ =	shalt  }
0x4f: {  	_ =	shalt  }
0x50: {  	_ =	shalt  }
0x51: {  	_ =	shalt  }
0x52: {  	_ =	shalt  }
0x53: {  	_ =	shalt  }
0x54: {  	_ =	shalt  }
0x55: {  	_ =	shalt  }
0x56: {  	_ =	shalt  }
0x57: {  	_ =	shalt  }
0x58: {  	_ =	shalt  }
0x59: {  	_ =	shalt  }
0x5a: {  	_ =	shalt  }
0x5b: {  	_ =	shalt  }
0x5c: {  	_ =	shalt  }
0x5d: {  	_ =	shalt  }
0x5e: {  	_ =	shalt  }
0x5f: {  	_ =	shalt  }
0x60: {  	_ =	shalt  }
0x61: {  	_ =	shalt  }
0x62: {  	_ =	shalt  }
0x63: {  	_ =	shalt  }
0x64: {  	_ =	shalt  }
0x65: {  	_ =	shalt  }
0x66: {  	_ =	shalt  }
0x67: {  	_ =	shalt  }
0x68: {  	_ =	shalt  }
0x69: {  	_ =	shalt  }
0x6a: {  	_ =	shalt  }
0x6b: {  	_ =	shalt  }
0x6c: {  	_ =	shalt  }
0x6d: {  	_ =	shalt  }
0x6e: {  	_ =	shalt  }
0x6f: {  	_ =	shalt  }
0x70: {  	_ =	shalt  }
0x71: {  	_ =	shalt  }
0x72: {  	_ =	shalt  }
0x73: {  	_ =	shalt  }
0x74: {  	_ =	shalt  }
0x75: {  	_ =	shalt  }
0x76: {  	_ =	shalt  }
0x77: {  	_ =	shalt  }
0x78: {  	_ =	shalt  }
0x79: {  	_ =	shalt  }
0x7a: {  	_ =	shalt  }
0x7b: {  	_ =	shalt  }
0x7c: {  	_ =	shalt  }
0x7d: {  	_ =	shalt  }
0x7e: {  	_ =	shalt  }
0x7f: {  	_ =	shalt  }
0x80: {  	_ =	shalt  }
0x81: {  	_ =	shalt  }
0x82: {  	_ =	shalt  }
0x83: {  	_ =	shalt  }
0x84: {  	_ =	shalt  }
0x85: {  	_ =	shalt  }
0x86: {  	_ =	shalt  }
0x87: {  	_ =	shalt  }
.Lfunc_end0:
.L_simem_size_0:
called_computation_lowered:
.L_overlay_start_0:
0x88: {  	s2 =	sld [smem:$0x3FD9]  }
0x89: {  	s3 =	sld [smem:$0x3FFE];
	_ =	sdelay $0x1  }
0x8a: {  	s1 =	srdreg.scid  }
0x8b: {  	s0 =	sand.u32 $0x1, s1  }
0x8c: {  	s16 =	sshll.u32 s0, $0xA;
	s2 =	sadd.s32 s3, s2  }
0x8d: {  	s2 =	sadd.s32 s2, s16  }
0x8e: {  	[smem:$0x3FC3] =	sst s2  }
0x8f: {  	_ = 	snop  }
0x90: {  	(tm) =	ssettm $0x1  }
0x91: {  	s17 =	sld [smem:$0x3FFB];
	_ =	sdelay $0x3  }
0x92: {  	_ =	strace s17  }
0x93: {  	s2 =	sld [smem:$0x3FFC];
	_ =	sdelay $0x3  }
0x94: {  	_ =	strace s2  }
0x95: {  	s2 =	sld [smem:$0x3FFD];
	_ =	sdelay $0x3  }
0x96: {  	_ =	strace s2  }
0x97: {  	_ =	strace $0x8FFFFFFF  }
0x98: {  	s18 =	sld [smem:$0x3FDB];
	_ =	sdelay $0x1  }
0x99: {  	s19 =	simm.s32 $_scs_section_size  }
0x9a: {  	s4 =	simm.s32 $_size__tile_overlayer_lowered;
	s5 =	simm.s32 $_tile_overlayer_lowered  }
0x9b: {  	s22 =	simm.s32 $0x1BFF;
	s21 =	sshll.u32 s5, $0x1;
	s2 =	sadd.s32 s19, s18  }
0x9c: {  	s6 =	simm.s32 $0x0;
	s20 =	sshll.u32 s4, $0x1;
	s4 =	sadd.s32 s21, s2  }
0x9d: {  	[timem:s6], [sflag:s22] =	dma.local [hbm:s4], s20  }
0x9e: {  	_ =	swait.ge [sflag:s22], s20  }
0x9f: {  	s3 =	ssub.s32 $0x0, s20;
	[sflag:s22] =	ssyncset.done $0x0  }
0xa0: {  	[sflag:s22] =	ssyncadd.s32 s3;
	_ =	sdelay $0x1  }
0xa1: {  	s23 =	simm.s32 $0x1B8B  }
0xa2: {  	_ =	swait.ge [sflag:s23], $0x1  }
0xa3: {  	[sflag:s23] =	ssyncset.done $0x0  }
0xa4: {  	s25 =	simm.s32 $0x1B8E;
	s24 =	sld [smem:$0x3FFE];
	[sflag:s23] =	ssyncadd.s32 $0xFFFFFFFF  }
0xa5: {  	s26 =	simm.s32 $execute0_lowered;
	[smem:$0x3FD2] =	sst s25  }
0xa6: {  	s4 =	sshll.u32 s26, $0x1;
	_ =	strace $0x80000046;
	[dreg:$0x1] =	wrdreg $0xFFFFFFFF  }
0xa7: {  	s28 =	simm.s32 $_size_execute0_lowered;
	s2 =	sadd.s32 s2, s4;
	[dreg:$0x0] =	wrdreg $0x0  }
0xa8: {  	s4 =	sshll.u32 s28, $0x1;
	[dreg:$0x2] =	wrdreg s2  }
0xa9: {  	[dreg:$0x3] =	wrdreg s4  }
0xaa: {  	[dreg:$0x4] =	wrdreg $0xC0  }
0xab: {  	_ =	task [dreg:s6], $0x5FFFF  }
0xac: {  	[dreg:$0x1] =	wrdreg $0xFFFFFFFF  }
0xad: {  	[dreg:$0x0] =	wrdreg $0x60  }
0xae: {  	[dreg:$0x2] =	wrdreg s24  }
0xaf: {  	[dreg:$0x3] =	wrdreg $0x9  }
0xb0: {  	_ =	task.clear_ibuf [dreg:s6], $0x4FFFF;
	_ =	strace $0x90000046  }
0xb1: {  	s29 =	simm.s32 $0x9;
	_ =	strace $0x80000048  }
0xb2: {  	_ =	swait.ge [sflag:s29], $0x1  }
0xb3: {  	[sflag:s29] =	ssyncadd.s32 $0xFFFFFFFF  }
0xb4: {  	_ =	strace $0x90000048  }
0xb5: {  	_ =	sfence  }
0xb6: {  	s30 =	sld [smem:$0x0];
	_ =	sdelay $0x2  }
0xb7: {  	s31 =	sshll.u32 s1, $0xD;
	s1 =	sshrl.u32 s1, $0x2  }
0xb8: {  	s3 =	sand.u32 $0x4000, s31;
	s1 =	sadd.s32 s1, s30  }
0xb9: {  	s0 =	sor.u32 s3, s0;
	s1 =	sshll.u32 s1, $0x11  }
0xba: {  	s0 =	sor.u32 s1, s0  }
0xbb: {  	s0 =	sadd.s32 $0x8F2B, s0  }
0xbc: {  	[sflag:s0] =	ssyncadd.remote.s32 $0x1  }
0xbd: {  	_ =	sfence.sel $0xFFFF  }
0xbe: {  	[dreg:$0x0] =	wrdreg $0xFFFFFFFF;
	(pc) =	sbr.abs _section_cstart, $3  }
0xbf: {  	[dreg:$0x1] =	wrdreg $0xFFFFFFFF  }
0xc0: {  	_ =	task.clear_ibuf [dreg:s6], $0x2FFFF;
	_ =	strace $0x9FFFFFFF  }
0xc1: {  	(tm) =	ssettm $0x7FFFFFFF  }
tec
execute0_lowered:
.L_overlay_start_1:
0x0: {  	(tag) =	ssettag $0x1  }
0x1: {  	s2 =	rddreg [dreg:$0x0]  }
0x2: {  	s0 =	rddreg [dreg:$0x1]  }
0x3: {  	s3 =	simm.s32 $0x0;
	s4 =	srdreg.scid;
	s1 =	stileid.u32  }
0x4: {  	s8 =	simm.s32 $0x80;
	s9 =	simm.s32 $0x100;
	s10 =	simm.s32 $0x1  }
0x5: {  	s11 =	simm.s32 $0x4100;
	s4 =	sand.u32 $0x1, s4;
	s5 =	sshll.u32 s1, $0x1  }
0x6: {  	s12 =	simm.s32 $0x0;
	[smem:$0x7FF] =	sst s3;
	s5 =	sor.u32 s4, s5  }
0x7: {  	_ =	strace $0x80000047;
	s4 =	ssub.s32 $0x2, s4;
	s6 =	sshll.u32 s5, $0x5  }
0x8: {  	s5 =	sshll.u32 s5, $0x4;
	s7 =	sshrl.u32 s4, $0x1;
	s6 =	sadd.s32 s6, s2  }
0x9: {  	s5 =	sadd.s32 s5, s2;
	s7 =	ssub.s32 s4, s7;
	s4 =	sadd.s32 $0x20000, s6  }
0xa: {  	s5 =	sadd.s32 $0x20400, s5;
	s6 =	smax.u32 s7, $0x1;
	s7 =	simm.s32 $0x2  }
.LBB2_1:
0xb: {  	[tilespmem:s3], [sflag:$0x2] =	stream.linear.gather [hbm4b:s4+s3], $0x100, $0x38;
	[tilespmem:$0x4180] =	vst v63  }
0xc: {  	_ =	swait.ge [sflag:s7], $0x100  }
0xd: {  	[sflag:s7] =	ssyncset.done $0x0  }
0xe: {  	[sflag:s7] =	ssyncadd.s32 $0xFFFFFF00  }
0xf: {  	[tilespmem:s9], [sflag:$0x1] =	stream.indirect.gather [hbm4b:s2+s8], $0x80, s3, s8, $0xb8;
	[tilespmem:$0x4180] =	vst v63  }
0x10: {  	_ =	swait.ge [sflag:s10], $0x4000  }
0x11: {  	[sflag:s10] =	ssyncset.done $0x0  }
0x12: {  	s14 =	simm.s32 $0x0;
	[sflag:s10] =	ssyncadd.s32 $0xFFFFC000  }
0x13: {  	v0 =	vimm.f32 $0.0e+00;
	s13 =	simm.s32 $0x200;
	v1 =	vld [tilespmem:s14+$0x100]  }
.LBB2_2:
0x14: {  	p0 =	sne.s32 s13, $0xFE00  }
.Ltmp0:
0x15: {  	_ = 	snop;
	(pc) =	sbr.rel @p0 .LBB2_2-.Ltmp0, $3  }
0x16: {  	_ =	sdelay $0x1  }
0x17: {  	s14 =	sshra.s32 s13, $0x2;
	s13 =	sadd.s32 $0x200, s13;
	v0 =	vadd.f32 v1, v0  }
0x18: {  	v1 =	vld [tilespmem:s14+$0x100]  }
0x19: {  	[tilespmem:s9], [sflag:$0x1] =	stream.indirect.gather [hbm4b:s2+s8], $0x80, s8, s8, $0xb8;
	[tilespmem:$0x4180] =	vst v63  }
0x1a: {  	_ =	swait.ge [sflag:s10], $0x4000  }
0x1b: {  	[sflag:s10] =	ssyncset.done $0x0  }
0x1c: {  	s14 =	simm.s32 $0x0;
	[sflag:s10] =	ssyncadd.s32 $0xFFFFC000  }
0x1d: {  	s13 =	simm.s32 $0x200;
	v0 =	vadd.f32 v1, v0;
	v1 =	vld [tilespmem:s14+$0x100]  }
.LBB2_4:
0x1e: {  	p0 =	sne.s32 s13, $0xFE00  }
.Ltmp1:
0x1f: {  	_ = 	snop;
	(pc) =	sbr.rel @p0 .LBB2_4-.Ltmp1, $3  }
0x20: {  	_ =	sdelay $0x1  }
0x21: {  	s14 =	sshra.s32 s13, $0x2;
	s13 =	sadd.s32 $0x200, s13;
	v0 =	vadd.f32 v1, v0  }
0x22: {  	v1 =	vld [tilespmem:s14+$0x100]  }
0x23: {  	_ =	sdelay $0x3  }
0x24: {  	s12 =	sadd.s32 $0x1, s12;
	v0 =	vadd.f32 v1, v0  }
0x25: {  	p0 =	sne.s32 s12, s6  }
.Ltmp2:
0x26: {  	[tilespmem:$0x4100] =	vst v0;
	(pc) =	sbr.rel @p0 .LBB2_1-.Ltmp2, $4  }
0x27: {  	[hbm4b:s5+s3] =	stream.linear.scatter [tilespmem:s11], [sflag:$0x2], $0x80, $0x38;
	[tilespmem:$0x4180] =	vst v63  }
0x28: {  	_ =	swait.ge [sflag:s7], $0x80  }
0x29: {  	[sflag:s7] =	ssyncset.done $0x0  }
0x2a: {  	[sflag:s7] =	ssyncadd.s32 $0xFFFFFF80  }
0x2b: {  	_ =	sfence.sel $0x180000  }
0x2c: {  	[bflag:$0x0] =	sbarrier.arrive $0xFFFF  }
0x2d: {  	p0 =	sne.s32 s1, $0x0;
	_ =	strace $0x90000047  }
0x2e: {  	s0 =	sadd.s32 @!p0 $0x100000, s0;
	[bflag:$0x2] =	sbarrier.arrive $0xFFFF  }
0x2f: {  	[sflag:s0] =	ssyncadd.tile.s32 @!p0 $0x1;
	_ =	shalt  }
.Lfunc_end2:
_tile_overlayer_lowered:
.L_overlay_start_2:
0x30: {  	(tag) =	ssettag $0x2  }
0x31: {  	s0 =	rddreg [dreg:$0x0];
	s2 =	stileid.u32  }
0x32: {  	s1 =	rddreg [dreg:$0x1];
	p0 =	sne.s32 s2, $0x0  }
0x33: {  	s3 =	rddreg [dreg:$0x2];
	[bflag:$0x3] =	sbarrier.arrive $0xFFFF;
	s2 =	simm.s32 @!p0 $0x1C02  }
0x34: {  	[timem:s3], [sflag:s2] =	dma.local @!p0 [hbm:s0], s1  }
0x35: {  	s0 =	simm.s32 @!p0 $0x2  }
0x36: {  	_ =	swait.ge @!p0 [sflag:s0], s1  }
0x37: {  	s1 =	ssub.s32 @!p0 $0x0, s1;
	[sflag:s0] =	ssyncset.done @!p0 $0x0  }
0x38: {  	[sflag:s0] =	ssyncadd.s32 @!p0 s1  }
0x39: {  	[bflag:$0x3] =	sbarrier.arrive $0xFFFF  }
0x3a: {  	_ =	shalt  }

</sc_bundles>
